<compile_context>
chip_gen: v7x
topology: tpu7x:2x2x1
jax: 0.10.2.dev20260603
libtpu: 0.0.44.dev20260713+nightly
codegen_flags: <defaults>
</compile_context>

<pallas_src>
import functools

import jax
import jax.numpy as jnp
from jax import lax
from jax.experimental import pallas as pl
from jax.experimental.pallas import tpu as pltpu
from jax.experimental.pallas import tpu_sc as plsc


def _gather_kernel(B, T, D):
    info = plsc.get_sparse_core_info()
    NC, NS = info.num_cores, info.num_subcores
    NW = NC * NS
    assert B % NW == 0
    rows_per_w = B // NW
    n_idx = rows_per_w * T

    mesh = plsc.VectorSubcoreMesh(core_axis_name="c", subcore_axis_name="s")

    @functools.partial(
        pl.kernel,
        mesh=mesh,
        out_type=jax.ShapeDtypeStruct((B, T, D), jnp.float32),
        scratch_types=[
            pltpu.VMEM((n_idx,), jnp.int32),
            pltpu.VMEM((2, T, 128), jnp.float32),
            pltpu.VMEM((2, T, D), jnp.float32),
            pltpu.SemaphoreType.DMA,
            pltpu.SemaphoreType.DMA,
            pltpu.SemaphoreType.DMA,
            pltpu.SemaphoreType.DMA,
        ],
    )
    def k(idx_hbm, pe_hbm, out_hbm, idx_v, wide_v, pack_v, sg0, sg1, so0, so1):
        wid = lax.axis_index("s") * NC + lax.axis_index("c")
        base = wid * rows_per_w
        pltpu.sync_copy(idx_hbm.at[pl.ds(base * T, n_idx)], idx_v)
        sg = (sg0, sg1)
        so = (so0, so1)

        def gather_desc(r, buf):
            return pltpu.make_async_copy(
                pe_hbm.at[idx_v.at[pl.ds(r * T, T)]],
                wide_v.at[buf],
                sg[buf],
            )

        def store_desc(r, buf):
            return pltpu.make_async_copy(
                pack_v.at[buf],
                out_hbm.at[base + r],
                so[buf],
            )

        def repack(buf):
            def rep_body(i4, carry):
                i0 = i4 * 4
                for rr in range(4):
                    for w in range(D // 16):
                        pack_v[buf, i0 + rr, pl.ds(w * 16, 16)] = wide_v[
                            buf, i0 + rr, pl.ds(w * 16, 16)
                        ]
                return carry

            lax.fori_loop(0, T // 4, rep_body, 0)

        gather_desc(0, 0).start()
        gather_desc(1, 1).start()

        def half(r, buf):
            gather_desc(r, buf).wait()

            @pl.when(r >= 2)
            def _():
                store_desc(r - 2, buf).wait()

            repack(buf)
            store_desc(r, buf).start()

            @pl.when(r + 2 < rows_per_w)
            def _():
                gather_desc(r + 2, buf).start()

        def body(p, carry):
            half(2 * p, 0)
            half(2 * p + 1, 1)
            return carry

        lax.fori_loop(0, rows_per_w // 2, body, 0)
        store_desc(rows_per_w - 2, 0).wait()
        store_desc(rows_per_w - 1, 1).wait()

    return k


def kernel(idx, pe):
    B, T = idx.shape
    V, D = pe.shape
    flat_idx = idx.reshape(B * T).astype(jnp.int32)
    pe_pad = jnp.pad(pe, ((0, 0), (0, 128 - D)))
    return _gather_kernel(B, T, D)(flat_idx, pe_pad)

# --- scband reference (transcript-rebuilt; emitter-appended) ---
"""Pipeline reference for scband-time-embedding-2525440770135 (READ-ONLY COPY).

The authoritative reference and input builder live on the scoring server;
editing this copy changes nothing except your own understanding.
"""

import jax, jax.numpy as jnp
import numpy as np

MAX_MONTHS = 100000
DIM = 64

def _build_pe(max_months, dim):
    pos = jnp.arange(0, max_months, dtype=jnp.float32)[:, None]
    i = jnp.arange(0, dim, 2, dtype=jnp.float32)
    div = 10000.0 ** (2.0 * i / dim)
    pe = jnp.zeros((max_months, dim), dtype=jnp.float32)
    pe = pe.at[:, 0::2].set(jnp.sin(pos / div))
    pe = pe.at[:, 1::2].set(jnp.cos(pos / div))
    return pe

def setup_inputs(seed: int = 0) -> dict:
    key = jax.random.key(seed)
    idx = jax.random.randint(key, (4096, 200), 0, MAX_MONTHS, dtype=jnp.int64) if jax.config.jax_enable_x64 else jax.random.randint(key, (4096, 200), 0, MAX_MONTHS, dtype=jnp.int32)
    pe = _build_pe(MAX_MONTHS, DIM)
    return {"idx": idx, "pe": pe}

def reference(idx, pe):
    # TimeEmbedding.forward: gather rows of the sinusoidal table
    return pe[idx]

if __name__ == "__main__":
    import jax
    _d = setup_inputs()
    print(jax.jit(kernel)(*tuple(_d.values())))

</pallas_src>

<mosaic_0001>
#map = affine_map<(d0, d1) -> (0)>
#map1 = affine_map<(d0, d1) -> (0, 0)>
#map2 = affine_map<(d0, d1) -> (0, 0, 0)>
module attributes {stable_mosaic.version = 14 : i64} {
  func.func @k(%arg0: i32, %arg1: i32, %arg2: memref<819200xi32, #tpu.memory_space<hbm>>, %arg3: memref<100000x128xf32, #tpu.memory_space<hbm>>, %arg4: memref<4096x200x64xf32, #tpu.memory_space<hbm>>, %arg5: memref<25600xi32, #tpu.memory_space<vmem>>, %arg6: memref<2x200x128xf32, #tpu.memory_space<vmem>>, %arg7: memref<2x200x64xf32, #tpu.memory_space<vmem>>, %arg8: memref<!tpu.dma_semaphore, #tpu.memory_space<semaphore_mem>>, %arg9: memref<!tpu.dma_semaphore, #tpu.memory_space<semaphore_mem>>, %arg10: memref<!tpu.dma_semaphore, #tpu.memory_space<semaphore_mem>>, %arg11: memref<!tpu.dma_semaphore, #tpu.memory_space<semaphore_mem>>) attributes {dimension_semantics = [#tpu.dimension_semantics<core_parallel>, #tpu.dimension_semantics<subcore_parallel>], iteration_bounds = array<i64: 2, 16>, scalar_prefetch = 0 : i64, scratch_operands = 7 : i64, tpu.core_type = #tpu.core_type<sc_vector_subcore>, window_params = [{transform_indices = #map}, {transform_indices = #map1}, {transform_indices = #map2}]} {
    %mul3A = arith.constant 2 : i32
    %mul3A_0 = arith.muli %arg1, %mul3A : i32
    %add3A = arith.addi %mul3A_0, %arg0 : i32
    %mul3A_1 = arith.constant 128 : i32
    %mul3A_2 = arith.muli %add3A, %mul3A_1 : i32
    %mul3A_3 = arith.constant 200 : i32
    %mul3A_4 = arith.muli %mul3A_2, %mul3A_3 : i32
    "tpu.region"() ({
      %run_scoped3A = tpu.sem_alloc : memref<!tpu.dma_semaphore, #tpu.memory_space<semaphore_mem>>
      %dma_start3A_66 = tpu.memref_slice %arg2[%mul3A_4] : memref<819200xi32, #tpu.memory_space<hbm>> -> memref<25600xi32, #tpu.memory_space<hbm>>
      %dma_start3A_67 = tpu.memref_slice %arg2[%mul3A_4] : memref<819200xi32, #tpu.memory_space<hbm>> -> memref<25600xi32, #tpu.memory_space<hbm>>
      tpu.enqueue_dma source(%dma_start3A_67 : memref<25600xi32, #tpu.memory_space<hbm>>) target(%arg5 : memref<25600xi32, #tpu.memory_space<vmem>>) target_semaphore(%run_scoped3A : memref<!tpu.dma_semaphore, #tpu.memory_space<semaphore_mem>>)
      %dma_wait3A_68 = tpu.memref_slice %arg2[%mul3A_4] : memref<819200xi32, #tpu.memory_space<hbm>> -> memref<25600xi32, #tpu.memory_space<hbm>>
      %dma_wait3A_69 = tpu.memref_slice %arg2[%mul3A_4] : memref<819200xi32, #tpu.memory_space<hbm>> -> memref<25600xi32, #tpu.memory_space<hbm>>
      tpu.wait_dma2 semaphore(%run_scoped3A : memref<!tpu.dma_semaphore, #tpu.memory_space<semaphore_mem>>) src(%dma_wait3A_69 : memref<25600xi32, #tpu.memory_space<hbm>>) dst(%arg5 : memref<25600xi32, #tpu.memory_space<vmem>>)
      tpu.yield
    }) : () -> ()
    %dma_start3A = arith.constant 0 : i32
    %dma_start3A_5 = arith.constant 0 : i32
    %dma_start3A_6 = arith.constant 0 : i32
    %dma_start3A_7 = tpu.memref_slice %arg6[%dma_start3A, %dma_start3A_5, %dma_start3A_6] : memref<2x200x128xf32, #tpu.memory_space<vmem>> -> memref<1x200x128xf32, #tpu.memory_space<vmem>>
    %dma_start3A_8 = tpu.memref_squeeze %dma_start3A_7 : memref<1x200x128xf32, #tpu.memory_space<vmem>> -> memref<200x128xf32, #tpu.memory_space<vmem>>
    %dma_start3A_9 = arith.constant 0 : i32
    %dma_start3A_10 = tpu.memref_slice %arg5[%dma_start3A_9] : memref<25600xi32, #tpu.memory_space<vmem>> -> memref<200xi32, #tpu.memory_space<vmem>>
    %dma_start3A_11 = arith.constant 0 : i32
    %dma_start3A_12 = arith.constant 0 : i32
    %dma_start3A_13 = tpu.memref_slice %arg3[%dma_start3A_11, %dma_start3A_12] : memref<100000x128xf32, #tpu.memory_space<hbm>> -> memref<100000x128xf32, #tpu.memory_space<hbm>>
    tpu.enqueue_indirect_dma source(%dma_start3A_13 : memref<100000x128xf32, #tpu.memory_space<hbm>>) target(%dma_start3A_8 : memref<200x128xf32, #tpu.memory_space<vmem>>) offsets(%dma_start3A_10 : memref<200xi32, #tpu.memory_space<vmem>>) semaphore(%arg8 : memref<!tpu.dma_semaphore, #tpu.memory_space<semaphore_mem>>)
    %dma_start3A_14 = arith.constant 1 : i32
    %dma_start3A_15 = arith.constant 0 : i32
    %dma_start3A_16 = arith.constant 0 : i32
    %dma_start3A_17 = tpu.memref_slice %arg6[%dma_start3A_14, %dma_start3A_15, %dma_start3A_16] : memref<2x200x128xf32, #tpu.memory_space<vmem>> -> memref<1x200x128xf32, #tpu.memory_space<vmem>>
    %dma_start3A_18 = tpu.memref_squeeze %dma_start3A_17 : memref<1x200x128xf32, #tpu.memory_space<vmem>> -> memref<200x128xf32, #tpu.memory_space<vmem>>
    %dma_start3A_19 = arith.constant 200 : i32
    %dma_start3A_20 = tpu.memref_slice %arg5[%dma_start3A_19] : memref<25600xi32, #tpu.memory_space<vmem>> -> memref<200xi32, #tpu.memory_space<vmem>>
    %dma_start3A_21 = arith.constant 0 : i32
    %dma_start3A_22 = arith.constant 0 : i32
    %dma_start3A_23 = tpu.memref_slice %arg3[%dma_start3A_21, %dma_start3A_22] : memref<100000x128xf32, #tpu.memory_space<hbm>> -> memref<100000x128xf32, #tpu.memory_space<hbm>>
    tpu.enqueue_indirect_dma source(%dma_start3A_23 : memref<100000x128xf32, #tpu.memory_space<hbm>>) target(%dma_start3A_18 : memref<200x128xf32, #tpu.memory_space<vmem>>) offsets(%dma_start3A_20 : memref<200xi32, #tpu.memory_space<vmem>>) semaphore(%arg9 : memref<!tpu.dma_semaphore, #tpu.memory_space<semaphore_mem>>)
    %scan3A = arith.constant 0 : i32
    %scan3A_24 = arith.constant 0 : i32
    %scan3A_25 = arith.constant 64 : i32
    %scan3A_26 = arith.addi %scan3A_24, %scan3A_25 : i32
    %scan3A_27 = arith.constant 1 : i32
    scf.for %scan3A_66 = %scan3A_24 to %scan3A_26 step %scan3A_27  : i32 {
      %mul3A_67 = arith.constant 2 : i32
      %mul3A_68 = arith.muli %mul3A_67, %scan3A_66 : i32
      %mul3A_69 = arith.constant 200 : i32
      %mul3A_70 = arith.muli %mul3A_68, %mul3A_69 : i32
      %dma_wait3A_71 = arith.constant 0 : i32
      %dma_wait3A_72 = arith.constant 0 : i32
      %dma_wait3A_73 = arith.constant 0 : i32
      %dma_wait3A_74 = tpu.memref_slice %arg6[%dma_wait3A_71, %dma_wait3A_72, %dma_wait3A_73] : memref<2x200x128xf32, #tpu.memory_space<vmem>> -> memref<1x200x128xf32, #tpu.memory_space<vmem>>
      %dma_wait3A_75 = tpu.memref_squeeze %dma_wait3A_74 : memref<1x200x128xf32, #tpu.memory_space<vmem>> -> memref<200x128xf32, #tpu.memory_space<vmem>>
      %dma_wait3A_76 = tpu.memref_slice %arg5[%mul3A_70] : memref<25600xi32, #tpu.memory_space<vmem>> -> memref<200xi32, #tpu.memory_space<vmem>>
      %dma_wait3A_77 = arith.constant 0 : i32
      %dma_wait3A_78 = arith.constant 0 : i32
      %dma_wait3A_79 = tpu.memref_slice %arg3[%dma_wait3A_77, %dma_wait3A_78] : memref<100000x128xf32, #tpu.memory_space<hbm>> -> memref<100000x128xf32, #tpu.memory_space<hbm>>
      tpu.wait_indirect_dma semaphore(%arg8 : memref<!tpu.dma_semaphore, #tpu.memory_space<semaphore_mem>>) src(%dma_wait3A_79 : memref<100000x128xf32, #tpu.memory_space<hbm>>) dst(%dma_wait3A_75 : memref<200x128xf32, #tpu.memory_space<vmem>>)
      %ge3A = arith.constant 2 : i32
      %ge3A_80 = arith.cmpi sge, %mul3A_68, %ge3A : i32
      %convert_element_type3A = arith.extui %ge3A_80 : i1 to i32
      %cond3A = arith.constant 0 : i32
      %cond3A_81 = arith.cmpi ne, %convert_element_type3A, %cond3A : i32
      scf.if %cond3A_81 {
        %sub3A = arith.constant 2 : i32
        %sub3A_163 = arith.subi %mul3A_68, %sub3A : i32
        %add3A_164 = arith.addi %mul3A_2, %sub3A_163 : i32
        %dma_wait3A_165 = arith.constant 0 : i32
        %dma_wait3A_166 = arith.constant 0 : i32
        %dma_wait3A_167 = arith.constant 0 : i32
        %dma_wait3A_168 = tpu.memref_slice %arg7[%dma_wait3A_165, %dma_wait3A_166, %dma_wait3A_167] : memref<2x200x64xf32, #tpu.memory_space<vmem>> -> memref<1x200x64xf32, #tpu.memory_space<vmem>>
        %dma_wait3A_169 = tpu.memref_squeeze %dma_wait3A_168 : memref<1x200x64xf32, #tpu.memory_space<vmem>> -> memref<200x64xf32, #tpu.memory_space<vmem>>
        %dma_wait3A_170 = arith.constant 0 : i32
        %dma_wait3A_171 = arith.constant 0 : i32
        %dma_wait3A_172 = tpu.memref_slice %arg4[%add3A_164, %dma_wait3A_170, %dma_wait3A_171] : memref<4096x200x64xf32, #tpu.memory_space<hbm>> -> memref<1x200x64xf32, #tpu.memory_space<hbm>>
        %dma_wait3A_173 = tpu.memref_squeeze %dma_wait3A_172 : memref<1x200x64xf32, #tpu.memory_space<hbm>> -> memref<200x64xf32, #tpu.memory_space<hbm>>
        %dma_wait3A_174 = arith.constant 0 : i32
        %dma_wait3A_175 = arith.constant 0 : i32
        %dma_wait3A_176 = tpu.memref_slice %arg4[%add3A_164, %dma_wait3A_174, %dma_wait3A_175] : memref<4096x200x64xf32, #tpu.memory_space<hbm>> -> memref<1x200x64xf32, #tpu.memory_space<hbm>>
        %dma_wait3A_177 = tpu.memref_squeeze %dma_wait3A_176 : memref<1x200x64xf32, #tpu.memory_space<hbm>> -> memref<200x64xf32, #tpu.memory_space<hbm>>
        %dma_wait3A_178 = arith.constant 0 : i32
        %dma_wait3A_179 = arith.constant 0 : i32
        %dma_wait3A_180 = tpu.memref_slice %arg7[%dma_wait3A_165, %dma_wait3A_178, %dma_wait3A_179] : memref<2x200x64xf32, #tpu.memory_space<vmem>> -> memref<1x200x64xf32, #tpu.memory_space<vmem>>
        %dma_wait3A_181 = tpu.memref_squeeze %dma_wait3A_180 : memref<1x200x64xf32, #tpu.memory_space<vmem>> -> memref<200x64xf32, #tpu.memory_space<vmem>>
        tpu.wait_dma2 semaphore(%arg10 : memref<!tpu.dma_semaphore, #tpu.memory_space<semaphore_mem>>) src(%dma_wait3A_181 : memref<200x64xf32, #tpu.memory_space<vmem>>) dst(%dma_wait3A_177 : memref<200x64xf32, #tpu.memory_space<hbm>>)
      } else {
      }
      %scan3A_82 = arith.constant 0 : i32
      %scan3A_83 = arith.constant 0 : i32
      %scan3A_84 = arith.constant 50 : i32
      %scan3A_85 = arith.addi %scan3A_83, %scan3A_84 : i32
      %scan3A_86 = arith.constant 1 : i32
      scf.for %scan3A_163 = %scan3A_83 to %scan3A_85 step %scan3A_86  : i32 {
        %mul3A_164 = arith.constant 4 : i32
        %mul3A_165 = arith.muli %scan3A_163, %mul3A_164 : i32
        %add3A_166 = arith.constant 0 : i32
        %add3A_167 = arith.addi %mul3A_165, %add3A_166 : i32
        %get3A = arith.constant 0 : i32
        %get3A_168 = arith.index_cast %get3A : i32 to index
        %get3A_169 = arith.index_cast %add3A_167 : i32 to index
        %get3A_170 = arith.constant 0 : index
        %get3A_171 = tpu.vector_load %arg6[%get3A_168, %get3A_169, %get3A_170] {strides = array<i32>} : memref<2x200x128xf32, #tpu.memory_space<vmem>>, vector<1x1x16xf32>,
        %get3A_172 = vector.shape_cast %get3A_171 : vector<1x1x16xf32> to vector<16xf32>
        %add3A_173 = arith.constant 0 : i32
        %add3A_174 = arith.addi %mul3A_165, %add3A_173 : i32
        %swap3A = arith.constant 0 : i32
        %swap3A_175 = arith.index_cast %swap3A : i32 to index
        %swap3A_176 = arith.index_cast %add3A_174 : i32 to index
        %swap3A_177 = arith.constant 0 : index
        %swap3A_178 = tpu.vector_load %arg7[%swap3A_175, %swap3A_176, %swap3A_177] {strides = array<i32>} : memref<2x200x64xf32, #tpu.memory_space<vmem>>, vector<1x1x16xf32>,
        %swap3A_179 = vector.shape_cast %swap3A_178 : vector<1x1x16xf32> to vector<16xf32>
        %swap3A_180 = vector.shape_cast %get3A_172 : vector<16xf32> to vector<1x1x16xf32>
        tpu.vector_store %arg7[%swap3A_175, %swap3A_176, %swap3A_177], %swap3A_180 {strides = array<i32>} : memref<2x200x64xf32, #tpu.memory_space<vmem>>, vector<1x1x16xf32>,
        %add3A_181 = arith.constant 0 : i32
        %add3A_182 = arith.addi %mul3A_165, %add3A_181 : i32
        %get3A_183 = arith.constant 0 : i32
        %get3A_184 = arith.index_cast %get3A_183 : i32 to index
        %get3A_185 = arith.index_cast %add3A_182 : i32 to index
        %get3A_186 = arith.constant 16 : index
        %get3A_187 = tpu.vector_load %arg6[%get3A_184, %get3A_185, %get3A_186] {strides = array<i32>} : memref<2x200x128xf32, #tpu.memory_space<vmem>>, vector<1x1x16xf32>,
        %get3A_188 = vector.shape_cast %get3A_187 : vector<1x1x16xf32> to vector<16xf32>
        %add3A_189 = arith.constant 0 : i32
        %add3A_190 = arith.addi %mul3A_165, %add3A_189 : i32
        %swap3A_191 = arith.constant 0 : i32
        %swap3A_192 = arith.index_cast %swap3A_191 : i32 to index
        %swap3A_193 = arith.index_cast %add3A_190 : i32 to index
        %swap3A_194 = arith.constant 16 : index
        %swap3A_195 = tpu.vector_load %arg7[%swap3A_192, %swap3A_193, %swap3A_194] {strides = array<i32>} : memref<2x200x64xf32, #tpu.memory_space<vmem>>, vector<1x1x16xf32>,
        %swap3A_196 = vector.shape_cast %swap3A_195 : vector<1x1x16xf32> to vector<16xf32>
        %swap3A_197 = vector.shape_cast %get3A_188 : vector<16xf32> to vector<1x1x16xf32>
        tpu.vector_store %arg7[%swap3A_192, %swap3A_193, %swap3A_194], %swap3A_197 {strides = array<i32>} : memref<2x200x64xf32, #tpu.memory_space<vmem>>, vector<1x1x16xf32>,
        %add3A_198 = arith.constant 0 : i32
        %add3A_199 = arith.addi %mul3A_165, %add3A_198 : i32
        %get3A_200 = arith.constant 0 : i32
        %get3A_201 = arith.index_cast %get3A_200 : i32 to index
        %get3A_202 = arith.index_cast %add3A_199 : i32 to index
        %get3A_203 = arith.constant 32 : index
        %get3A_204 = tpu.vector_load %arg6[%get3A_201, %get3A_202, %get3A_203] {strides = array<i32>} : memref<2x200x128xf32, #tpu.memory_space<vmem>>, vector<1x1x16xf32>,
        %get3A_205 = vector.shape_cast %get3A_204 : vector<1x1x16xf32> to vector<16xf32>
        %add3A_206 = arith.constant 0 : i32
        %add3A_207 = arith.addi %mul3A_165, %add3A_206 : i32
        %swap3A_208 = arith.constant 0 : i32
        %swap3A_209 = arith.index_cast %swap3A_208 : i32 to index
        %swap3A_210 = arith.index_cast %add3A_207 : i32 to index
        %swap3A_211 = arith.constant 32 : index
        %swap3A_212 = tpu.vector_load %arg7[%swap3A_209, %swap3A_210, %swap3A_211] {strides = array<i32>} : memref<2x200x64xf32, #tpu.memory_space<vmem>>, vector<1x1x16xf32>,
        %swap3A_213 = vector.shape_cast %swap3A_212 : vector<1x1x16xf32> to vector<16xf32>
        %swap3A_214 = vector.shape_cast %get3A_205 : vector<16xf32> to vector<1x1x16xf32>
        tpu.vector_store %arg7[%swap3A_209, %swap3A_210, %swap3A_211], %swap3A_214 {strides = array<i32>} : memref<2x200x64xf32, #tpu.memory_space<vmem>>, vector<1x1x16xf32>,
        %add3A_215 = arith.constant 0 : i32
        %add3A_216 = arith.addi %mul3A_165, %add3A_215 : i32
        %get3A_217 = arith.constant 0 : i32
        %get3A_218 = arith.index_cast %get3A_217 : i32 to index
        %get3A_219 = arith.index_cast %add3A_216 : i32 to index
        %get3A_220 = arith.constant 48 : index
        %get3A_221 = tpu.vector_load %arg6[%get3A_218, %get3A_219, %get3A_220] {strides = array<i32>} : memref<2x200x128xf32, #tpu.memory_space<vmem>>, vector<1x1x16xf32>,
        %get3A_222 = vector.shape_cast %get3A_221 : vector<1x1x16xf32> to vector<16xf32>
        %add3A_223 = arith.constant 0 : i32
        %add3A_224 = arith.addi %mul3A_165, %add3A_223 : i32
        %swap3A_225 = arith.constant 0 : i32
        %swap3A_226 = arith.index_cast %swap3A_225 : i32 to index
        %swap3A_227 = arith.index_cast %add3A_224 : i32 to index
        %swap3A_228 = arith.constant 48 : index
        %swap3A_229 = tpu.vector_load %arg7[%swap3A_226, %swap3A_227, %swap3A_228] {strides = array<i32>} : memref<2x200x64xf32, #tpu.memory_space<vmem>>, vector<1x1x16xf32>,
        %swap3A_230 = vector.shape_cast %swap3A_229 : vector<1x1x16xf32> to vector<16xf32>
        %swap3A_231 = vector.shape_cast %get3A_222 : vector<16xf32> to vector<1x1x16xf32>
        tpu.vector_store %arg7[%swap3A_226, %swap3A_227, %swap3A_228], %swap3A_231 {strides = array<i32>} : memref<2x200x64xf32, #tpu.memory_space<vmem>>, vector<1x1x16xf32>,
        %add3A_232 = arith.constant 1 : i32
        %add3A_233 = arith.addi %mul3A_165, %add3A_232 : i32
        %get3A_234 = arith.constant 0 : i32
        %get3A_235 = arith.index_cast %get3A_234 : i32 to index
        %get3A_236 = arith.index_cast %add3A_233 : i32 to index
        %get3A_237 = arith.constant 0 : index
        %get3A_238 = tpu.vector_load %arg6[%get3A_235, %get3A_236, %get3A_237] {strides = array<i32>} : memref<2x200x128xf32, #tpu.memory_space<vmem>>, vector<1x1x16xf32>,
        %get3A_239 = vector.shape_cast %get3A_238 : vector<1x1x16xf32> to vector<16xf32>
        %add3A_240 = arith.constant 1 : i32
        %add3A_241 = arith.addi %mul3A_165, %add3A_240 : i32
        %swap3A_242 = arith.constant 0 : i32
        %swap3A_243 = arith.index_cast %swap3A_242 : i32 to index
        %swap3A_244 = arith.index_cast %add3A_241 : i32 to index
        %swap3A_245 = arith.constant 0 : index
        %swap3A_246 = tpu.vector_load %arg7[%swap3A_243, %swap3A_244, %swap3A_245] {strides = array<i32>} : memref<2x200x64xf32, #tpu.memory_space<vmem>>, vector<1x1x16xf32>,
        %swap3A_247 = vector.shape_cast %swap3A_246 : vector<1x1x16xf32> to vector<16xf32>
        %swap3A_248 = vector.shape_cast %get3A_239 : vector<16xf32> to vector<1x1x16xf32>
        tpu.vector_store %arg7[%swap3A_243, %swap3A_244, %swap3A_245], %swap3A_248 {strides = array<i32>} : memref<2x200x64xf32, #tpu.memory_space<vmem>>, vector<1x1x16xf32>,
        %add3A_249 = arith.constant 1 : i32
        %add3A_250 = arith.addi %mul3A_165, %add3A_249 : i32
        %get3A_251 = arith.constant 0 : i32
        %get3A_252 = arith.index_cast %get3A_251 : i32 to index
        %get3A_253 = arith.index_cast %add3A_250 : i32 to index
        %get3A_254 = arith.constant 16 : index
        %get3A_255 = tpu.vector_load %arg6[%get3A_252, %get3A_253, %get3A_254] {strides = array<i32>} : memref<2x200x128xf32, #tpu.memory_space<vmem>>, vector<1x1x16xf32>,
        %get3A_256 = vector.shape_cast %get3A_255 : vector<1x1x16xf32> to vector<16xf32>
        %add3A_257 = arith.constant 1 : i32
        %add3A_258 = arith.addi %mul3A_165, %add3A_257 : i32
        %swap3A_259 = arith.constant 0 : i32
        %swap3A_260 = arith.index_cast %swap3A_259 : i32 to index
        %swap3A_261 = arith.index_cast %add3A_258 : i32 to index
        %swap3A_262 = arith.constant 16 : index
        %swap3A_263 = tpu.vector_load %arg7[%swap3A_260, %swap3A_261, %swap3A_262] {strides = array<i32>} : memref<2x200x64xf32, #tpu.memory_space<vmem>>, vector<1x1x16xf32>,
        %swap3A_264 = vector.shape_cast %swap3A_263 : vector<1x1x16xf32> to vector<16xf32>
        %swap3A_265 = vector.shape_cast %get3A_256 : vector<16xf32> to vector<1x1x16xf32>
        tpu.vector_store %arg7[%swap3A_260, %swap3A_261, %swap3A_262], %swap3A_265 {strides = array<i32>} : memref<2x200x64xf32, #tpu.memory_space<vmem>>, vector<1x1x16xf32>,
        %add3A_266 = arith.constant 1 : i32
        %add3A_267 = arith.addi %mul3A_165, %add3A_266 : i32
        %get3A_268 = arith.constant 0 : i32
        %get3A_269 = arith.index_cast %get3A_268 : i32 to index
        %get3A_270 = arith.index_cast %add3A_267 : i32 to index
        %get3A_271 = arith.constant 32 : index
        %get3A_272 = tpu.vector_load %arg6[%get3A_269, %get3A_270, %get3A_271] {strides = array<i32>} : memref<2x200x128xf32, #tpu.memory_space<vmem>>, vector<1x1x16xf32>,
        %get3A_273 = vector.shape_cast %get3A_272 : vector<1x1x16xf32> to vector<16xf32>
        %add3A_274 = arith.constant 1 : i32
        %add3A_275 = arith.addi %mul3A_165, %add3A_274 : i32
        %swap3A_276 = arith.constant 0 : i32
        %swap3A_277 = arith.index_cast %swap3A_276 : i32 to index
        %swap3A_278 = arith.index_cast %add3A_275 : i32 to index
        %swap3A_279 = arith.constant 32 : index
        %swap3A_280 = tpu.vector_load %arg7[%swap3A_277, %swap3A_278, %swap3A_279] {strides = array<i32>} : memref<2x200x64xf32, #tpu.memory_space<vmem>>, vector<1x1x16xf32>,
        %swap3A_281 = vector.shape_cast %swap3A_280 : vector<1x1x16xf32> to vector<16xf32>
        %swap3A_282 = vector.shape_cast %get3A_273 : vector<16xf32> to vector<1x1x16xf32>
        tpu.vector_store %arg7[%swap3A_277, %swap3A_278, %swap3A_279], %swap3A_282 {strides = array<i32>} : memref<2x200x64xf32, #tpu.memory_space<vmem>>, vector<1x1x16xf32>,
        %add3A_283 = arith.constant 1 : i32
        %add3A_284 = arith.addi %mul3A_165, %add3A_283 : i32
        %get3A_285 = arith.constant 0 : i32
        %get3A_286 = arith.index_cast %get3A_285 : i32 to index
        %get3A_287 = arith.index_cast %add3A_284 : i32 to index
        %get3A_288 = arith.constant 48 : index
        %get3A_289 = tpu.vector_load %arg6[%get3A_286, %get3A_287, %get3A_288] {strides = array<i32>} : memref<2x200x128xf32, #tpu.memory_space<vmem>>, vector<1x1x16xf32>,
        %get3A_290 = vector.shape_cast %get3A_289 : vector<1x1x16xf32> to vector<16xf32>
        %add3A_291 = arith.constant 1 : i32
        %add3A_292 = arith.addi %mul3A_165, %add3A_291 : i32
        %swap3A_293 = arith.constant 0 : i32
        %swap3A_294 = arith.index_cast %swap3A_293 : i32 to index
        %swap3A_295 = arith.index_cast %add3A_292 : i32 to index
        %swap3A_296 = arith.constant 48 : index
        %swap3A_297 = tpu.vector_load %arg7[%swap3A_294, %swap3A_295, %swap3A_296] {strides = array<i32>} : memref<2x200x64xf32, #tpu.memory_space<vmem>>, vector<1x1x16xf32>,
        %swap3A_298 = vector.shape_cast %swap3A_297 : vector<1x1x16xf32> to vector<16xf32>
        %swap3A_299 = vector.shape_cast %get3A_290 : vector<16xf32> to vector<1x1x16xf32>
        tpu.vector_store %arg7[%swap3A_294, %swap3A_295, %swap3A_296], %swap3A_299 {strides = array<i32>} : memref<2x200x64xf32, #tpu.memory_space<vmem>>, vector<1x1x16xf32>,
        %add3A_300 = arith.constant 2 : i32
        %add3A_301 = arith.addi %mul3A_165, %add3A_300 : i32
        %get3A_302 = arith.constant 0 : i32
        %get3A_303 = arith.index_cast %get3A_302 : i32 to index
        %get3A_304 = arith.index_cast %add3A_301 : i32 to index
        %get3A_305 = arith.constant 0 : index
        %get3A_306 = tpu.vector_load %arg6[%get3A_303, %get3A_304, %get3A_305] {strides = array<i32>} : memref<2x200x128xf32, #tpu.memory_space<vmem>>, vector<1x1x16xf32>,
        %get3A_307 = vector.shape_cast %get3A_306 : vector<1x1x16xf32> to vector<16xf32>
        %add3A_308 = arith.constant 2 : i32
        %add3A_309 = arith.addi %mul3A_165, %add3A_308 : i32
        %swap3A_310 = arith.constant 0 : i32
        %swap3A_311 = arith.index_cast %swap3A_310 : i32 to index
        %swap3A_312 = arith.index_cast %add3A_309 : i32 to index
        %swap3A_313 = arith.constant 0 : index
        %swap3A_314 = tpu.vector_load %arg7[%swap3A_311, %swap3A_312, %swap3A_313] {strides = array<i32>} : memref<2x200x64xf32, #tpu.memory_space<vmem>>, vector<1x1x16xf32>,
        %swap3A_315 = vector.shape_cast %swap3A_314 : vector<1x1x16xf32> to vector<16xf32>
        %swap3A_316 = vector.shape_cast %get3A_307 : vector<16xf32> to vector<1x1x16xf32>
        tpu.vector_store %arg7[%swap3A_311, %swap3A_312, %swap3A_313], %swap3A_316 {strides = array<i32>} : memref<2x200x64xf32, #tpu.memory_space<vmem>>, vector<1x1x16xf32>,
        %add3A_317 = arith.constant 2 : i32
        %add3A_318 = arith.addi %mul3A_165, %add3A_317 : i32
        %get3A_319 = arith.constant 0 : i32
        %get3A_320 = arith.index_cast %get3A_319 : i32 to index
        %get3A_321 = arith.index_cast %add3A_318 : i32 to index
        %get3A_322 = arith.constant 16 : index
        %get3A_323 = tpu.vector_load %arg6[%get3A_320, %get3A_321, %get3A_322] {strides = array<i32>} : memref<2x200x128xf32, #tpu.memory_space<vmem>>, vector<1x1x16xf32>,
        %get3A_324 = vector.shape_cast %get3A_323 : vector<1x1x16xf32> to vector<16xf32>
        %add3A_325 = arith.constant 2 : i32
        %add3A_326 = arith.addi %mul3A_165, %add3A_325 : i32
        %swap3A_327 = arith.constant 0 : i32
        %swap3A_328 = arith.index_cast %swap3A_327 : i32 to index
        %swap3A_329 = arith.index_cast %add3A_326 : i32 to index
        %swap3A_330 = arith.constant 16 : index
        %swap3A_331 = tpu.vector_load %arg7[%swap3A_328, %swap3A_329, %swap3A_330] {strides = array<i32>} : memref<2x200x64xf32, #tpu.memory_space<vmem>>, vector<1x1x16xf32>,
        %swap3A_332 = vector.shape_cast %swap3A_331 : vector<1x1x16xf32> to vector<16xf32>
        %swap3A_333 = vector.shape_cast %get3A_324 : vector<16xf32> to vector<1x1x16xf32>
        tpu.vector_store %arg7[%swap3A_328, %swap3A_329, %swap3A_330], %swap3A_333 {strides = array<i32>} : memref<2x200x64xf32, #tpu.memory_space<vmem>>, vector<1x1x16xf32>,
        %add3A_334 = arith.constant 2 : i32
        %add3A_335 = arith.addi %mul3A_165, %add3A_334 : i32
        %get3A_336 = arith.constant 0 : i32
        %get3A_337 = arith.index_cast %get3A_336 : i32 to index
        %get3A_338 = arith.index_cast %add3A_335 : i32 to index
        %get3A_339 = arith.constant 32 : index
        %get3A_340 = tpu.vector_load %arg6[%get3A_337, %get3A_338, %get3A_339] {strides = array<i32>} : memref<2x200x128xf32, #tpu.memory_space<vmem>>, vector<1x1x16xf32>,
        %get3A_341 = vector.shape_cast %get3A_340 : vector<1x1x16xf32> to vector<16xf32>
        %add3A_342 = arith.constant 2 : i32
        %add3A_343 = arith.addi %mul3A_165, %add3A_342 : i32
        %swap3A_344 = arith.constant 0 : i32
        %swap3A_345 = arith.index_cast %swap3A_344 : i32 to index
        %swap3A_346 = arith.index_cast %add3A_343 : i32 to index
        %swap3A_347 = arith.constant 32 : index
        %swap3A_348 = tpu.vector_load %arg7[%swap3A_345, %swap3A_346, %swap3A_347] {strides = array<i32>} : memref<2x200x64xf32, #tpu.memory_space<vmem>>, vector<1x1x16xf32>,
        %swap3A_349 = vector.shape_cast %swap3A_348 : vector<1x1x16xf32> to vector<16xf32>
        %swap3A_350 = vector.shape_cast %get3A_341 : vector<16xf32> to vector<1x1x16xf32>
        tpu.vector_store %arg7[%swap3A_345, %swap3A_346, %swap3A_347], %swap3A_350 {strides = array<i32>} : memref<2x200x64xf32, #tpu.memory_space<vmem>>, vector<1x1x16xf32>,
        %add3A_351 = arith.constant 2 : i32
        %add3A_352 = arith.addi %mul3A_165, %add3A_351 : i32
        %get3A_353 = arith.constant 0 : i32
        %get3A_354 = arith.index_cast %get3A_353 : i32 to index
        %get3A_355 = arith.index_cast %add3A_352 : i32 to index
        %get3A_356 = arith.constant 48 : index
        %get3A_357 = tpu.vector_load %arg6[%get3A_354, %get3A_355, %get3A_356] {strides = array<i32>} : memref<2x200x128xf32, #tpu.memory_space<vmem>>, vector<1x1x16xf32>,
        %get3A_358 = vector.shape_cast %get3A_357 : vector<1x1x16xf32> to vector<16xf32>
        %add3A_359 = arith.constant 2 : i32
        %add3A_360 = arith.addi %mul3A_165, %add3A_359 : i32
        %swap3A_361 = arith.constant 0 : i32
        %swap3A_362 = arith.index_cast %swap3A_361 : i32 to index
        %swap3A_363 = arith.index_cast %add3A_360 : i32 to index
        %swap3A_364 = arith.constant 48 : index
        %swap3A_365 = tpu.vector_load %arg7[%swap3A_362, %swap3A_363, %swap3A_364] {strides = array<i32>} : memref<2x200x64xf32, #tpu.memory_space<vmem>>, vector<1x1x16xf32>,
        %swap3A_366 = vector.shape_cast %swap3A_365 : vector<1x1x16xf32> to vector<16xf32>
        %swap3A_367 = vector.shape_cast %get3A_358 : vector<16xf32> to vector<1x1x16xf32>
        tpu.vector_store %arg7[%swap3A_362, %swap3A_363, %swap3A_364], %swap3A_367 {strides = array<i32>} : memref<2x200x64xf32, #tpu.memory_space<vmem>>, vector<1x1x16xf32>,
        %add3A_368 = arith.constant 3 : i32
        %add3A_369 = arith.addi %mul3A_165, %add3A_368 : i32
        %get3A_370 = arith.constant 0 : i32
        %get3A_371 = arith.index_cast %get3A_370 : i32 to index
        %get3A_372 = arith.index_cast %add3A_369 : i32 to index
        %get3A_373 = arith.constant 0 : index
        %get3A_374 = tpu.vector_load %arg6[%get3A_371, %get3A_372, %get3A_373] {strides = array<i32>} : memref<2x200x128xf32, #tpu.memory_space<vmem>>, vector<1x1x16xf32>,
        %get3A_375 = vector.shape_cast %get3A_374 : vector<1x1x16xf32> to vector<16xf32>
        %add3A_376 = arith.constant 3 : i32
        %add3A_377 = arith.addi %mul3A_165, %add3A_376 : i32
        %swap3A_378 = arith.constant 0 : i32
        %swap3A_379 = arith.index_cast %swap3A_378 : i32 to index
        %swap3A_380 = arith.index_cast %add3A_377 : i32 to index
        %swap3A_381 = arith.constant 0 : index
        %swap3A_382 = tpu.vector_load %arg7[%swap3A_379, %swap3A_380, %swap3A_381] {strides = array<i32>} : memref<2x200x64xf32, #tpu.memory_space<vmem>>, vector<1x1x16xf32>,
        %swap3A_383 = vector.shape_cast %swap3A_382 : vector<1x1x16xf32> to vector<16xf32>
        %swap3A_384 = vector.shape_cast %get3A_375 : vector<16xf32> to vector<1x1x16xf32>
        tpu.vector_store %arg7[%swap3A_379, %swap3A_380, %swap3A_381], %swap3A_384 {strides = array<i32>} : memref<2x200x64xf32, #tpu.memory_space<vmem>>, vector<1x1x16xf32>,
        %add3A_385 = arith.constant 3 : i32
        %add3A_386 = arith.addi %mul3A_165, %add3A_385 : i32
        %get3A_387 = arith.constant 0 : i32
        %get3A_388 = arith.index_cast %get3A_387 : i32 to index
        %get3A_389 = arith.index_cast %add3A_386 : i32 to index
        %get3A_390 = arith.constant 16 : index
        %get3A_391 = tpu.vector_load %arg6[%get3A_388, %get3A_389, %get3A_390] {strides = array<i32>} : memref<2x200x128xf32, #tpu.memory_space<vmem>>, vector<1x1x16xf32>,
        %get3A_392 = vector.shape_cast %get3A_391 : vector<1x1x16xf32> to vector<16xf32>
        %add3A_393 = arith.constant 3 : i32
        %add3A_394 = arith.addi %mul3A_165, %add3A_393 : i32
        %swap3A_395 = arith.constant 0 : i32
        %swap3A_396 = arith.index_cast %swap3A_395 : i32 to index
        %swap3A_397 = arith.index_cast %add3A_394 : i32 to index
        %swap3A_398 = arith.constant 16 : index
        %swap3A_399 = tpu.vector_load %arg7[%swap3A_396, %swap3A_397, %swap3A_398] {strides = array<i32>} : memref<2x200x64xf32, #tpu.memory_space<vmem>>, vector<1x1x16xf32>,
        %swap3A_400 = vector.shape_cast %swap3A_399 : vector<1x1x16xf32> to vector<16xf32>
        %swap3A_401 = vector.shape_cast %get3A_392 : vector<16xf32> to vector<1x1x16xf32>
        tpu.vector_store %arg7[%swap3A_396, %swap3A_397, %swap3A_398], %swap3A_401 {strides = array<i32>} : memref<2x200x64xf32, #tpu.memory_space<vmem>>, vector<1x1x16xf32>,
        %add3A_402 = arith.constant 3 : i32
        %add3A_403 = arith.addi %mul3A_165, %add3A_402 : i32
        %get3A_404 = arith.constant 0 : i32
        %get3A_405 = arith.index_cast %get3A_404 : i32 to index
        %get3A_406 = arith.index_cast %add3A_403 : i32 to index
        %get3A_407 = arith.constant 32 : index
        %get3A_408 = tpu.vector_load %arg6[%get3A_405, %get3A_406, %get3A_407] {strides = array<i32>} : memref<2x200x128xf32, #tpu.memory_space<vmem>>, vector<1x1x16xf32>,
        %get3A_409 = vector.shape_cast %get3A_408 : vector<1x1x16xf32> to vector<16xf32>
        %add3A_410 = arith.constant 3 : i32
        %add3A_411 = arith.addi %mul3A_165, %add3A_410 : i32
        %swap3A_412 = arith.constant 0 : i32
        %swap3A_413 = arith.index_cast %swap3A_412 : i32 to index
        %swap3A_414 = arith.index_cast %add3A_411 : i32 to index
        %swap3A_415 = arith.constant 32 : index
        %swap3A_416 = tpu.vector_load %arg7[%swap3A_413, %swap3A_414, %swap3A_415] {strides = array<i32>} : memref<2x200x64xf32, #tpu.memory_space<vmem>>, vector<1x1x16xf32>,
        %swap3A_417 = vector.shape_cast %swap3A_416 : vector<1x1x16xf32> to vector<16xf32>
        %swap3A_418 = vector.shape_cast %get3A_409 : vector<16xf32> to vector<1x1x16xf32>
        tpu.vector_store %arg7[%swap3A_413, %swap3A_414, %swap3A_415], %swap3A_418 {strides = array<i32>} : memref<2x200x64xf32, #tpu.memory_space<vmem>>, vector<1x1x16xf32>,
        %add3A_419 = arith.constant 3 : i32
        %add3A_420 = arith.addi %mul3A_165, %add3A_419 : i32
        %get3A_421 = arith.constant 0 : i32
        %get3A_422 = arith.index_cast %get3A_421 : i32 to index
        %get3A_423 = arith.index_cast %add3A_420 : i32 to index
        %get3A_424 = arith.constant 48 : index
        %get3A_425 = tpu.vector_load %arg6[%get3A_422, %get3A_423, %get3A_424] {strides = array<i32>} : memref<2x200x128xf32, #tpu.memory_space<vmem>>, vector<1x1x16xf32>,
        %get3A_426 = vector.shape_cast %get3A_425 : vector<1x1x16xf32> to vector<16xf32>
        %add3A_427 = arith.constant 3 : i32
        %add3A_428 = arith.addi %mul3A_165, %add3A_427 : i32
        %swap3A_429 = arith.constant 0 : i32
        %swap3A_430 = arith.index_cast %swap3A_429 : i32 to index
        %swap3A_431 = arith.index_cast %add3A_428 : i32 to index
        %swap3A_432 = arith.constant 48 : index
        %swap3A_433 = tpu.vector_load %arg7[%swap3A_430, %swap3A_431, %swap3A_432] {strides = array<i32>} : memref<2x200x64xf32, #tpu.memory_space<vmem>>, vector<1x1x16xf32>,
        %swap3A_434 = vector.shape_cast %swap3A_433 : vector<1x1x16xf32> to vector<16xf32>
        %swap3A_435 = vector.shape_cast %get3A_426 : vector<16xf32> to vector<1x1x16xf32>
        tpu.vector_store %arg7[%swap3A_430, %swap3A_431, %swap3A_432], %swap3A_435 {strides = array<i32>} : memref<2x200x64xf32, #tpu.memory_space<vmem>>, vector<1x1x16xf32>,
      }
      %scan3A_87 = arith.constant 50 : i32
      %add3A_88 = arith.addi %mul3A_2, %mul3A_68 : i32
      %dma_start3A_89 = arith.constant 0 : i32
      %dma_start3A_90 = arith.constant 0 : i32
      %dma_start3A_91 = arith.constant 0 : i32
      %dma_start3A_92 = tpu.memref_slice %arg7[%dma_start3A_89, %dma_start3A_90, %dma_start3A_91] : memref<2x200x64xf32, #tpu.memory_space<vmem>> -> memref<1x200x64xf32, #tpu.memory_space<vmem>>
      %dma_start3A_93 = tpu.memref_squeeze %dma_start3A_92 : memref<1x200x64xf32, #tpu.memory_space<vmem>> -> memref<200x64xf32, #tpu.memory_space<vmem>>
      %dma_start3A_94 = arith.constant 0 : i32
      %dma_start3A_95 = arith.constant 0 : i32
      %dma_start3A_96 = tpu.memref_slice %arg4[%add3A_88, %dma_start3A_94, %dma_start3A_95] : memref<4096x200x64xf32, #tpu.memory_space<hbm>> -> memref<1x200x64xf32, #tpu.memory_space<hbm>>
      %dma_start3A_97 = tpu.memref_squeeze %dma_start3A_96 : memref<1x200x64xf32, #tpu.memory_space<hbm>> -> memref<200x64xf32, #tpu.memory_space<hbm>>
      %dma_start3A_98 = arith.constant 0 : i32
      %dma_start3A_99 = arith.constant 0 : i32
      %dma_start3A_100 = tpu.memref_slice %arg4[%add3A_88, %dma_start3A_98, %dma_start3A_99] : memref<4096x200x64xf32, #tpu.memory_space<hbm>> -> memref<1x200x64xf32, #tpu.memory_space<hbm>>
      %dma_start3A_101 = tpu.memref_squeeze %dma_start3A_100 : memref<1x200x64xf32, #tpu.memory_space<hbm>> -> memref<200x64xf32, #tpu.memory_space<hbm>>
      %dma_start3A_102 = arith.constant 0 : i32
      %dma_start3A_103 = arith.constant 0 : i32
      %dma_start3A_104 = tpu.memref_slice %arg7[%dma_start3A_89, %dma_start3A_102, %dma_start3A_103] : memref<2x200x64xf32, #tpu.memory_space<vmem>> -> memref<1x200x64xf32, #tpu.memory_space<vmem>>
      %dma_start3A_105 = tpu.memref_squeeze %dma_start3A_104 : memref<1x200x64xf32, #tpu.memory_space<vmem>> -> memref<200x64xf32, #tpu.memory_space<vmem>>
      tpu.enqueue_dma source(%dma_start3A_105 : memref<200x64xf32, #tpu.memory_space<vmem>>) target(%dma_start3A_101 : memref<200x64xf32, #tpu.memory_space<hbm>>) target_semaphore(%arg10 : memref<!tpu.dma_semaphore, #tpu.memory_space<semaphore_mem>>)
      %add3A_106 = arith.constant 2 : i32
      %add3A_107 = arith.addi %mul3A_68, %add3A_106 : i32
      %lt3A = arith.constant 128 : i32
      %lt3A_108 = arith.cmpi slt, %add3A_107, %lt3A : i32
      %convert_element_type3A_109 = arith.extui %lt3A_108 : i1 to i32
      %cond3A_110 = arith.constant 0 : i32
      %cond3A_111 = arith.cmpi ne, %convert_element_type3A_109, %cond3A_110 : i32
      scf.if %cond3A_111 {
        %add3A_163 = arith.constant 2 : i32
        %add3A_164 = arith.addi %mul3A_68, %add3A_163 : i32
        %mul3A_165 = arith.constant 200 : i32
        %mul3A_166 = arith.muli %add3A_164, %mul3A_165 : i32
        %dma_start3A_167 = arith.constant 0 : i32
        %dma_start3A_168 = arith.constant 0 : i32
        %dma_start3A_169 = arith.constant 0 : i32
        %dma_start3A_170 = tpu.memref_slice %arg6[%dma_start3A_167, %dma_start3A_168, %dma_start3A_169] : memref<2x200x128xf32, #tpu.memory_space<vmem>> -> memref<1x200x128xf32, #tpu.memory_space<vmem>>
        %dma_start3A_171 = tpu.memref_squeeze %dma_start3A_170 : memref<1x200x128xf32, #tpu.memory_space<vmem>> -> memref<200x128xf32, #tpu.memory_space<vmem>>
        %dma_start3A_172 = tpu.memref_slice %arg5[%mul3A_166] : memref<25600xi32, #tpu.memory_space<vmem>> -> memref<200xi32, #tpu.memory_space<vmem>>
        %dma_start3A_173 = arith.constant 0 : i32
        %dma_start3A_174 = arith.constant 0 : i32
        %dma_start3A_175 = tpu.memref_slice %arg3[%dma_start3A_173, %dma_start3A_174] : memref<100000x128xf32, #tpu.memory_space<hbm>> -> memref<100000x128xf32, #tpu.memory_space<hbm>>
        tpu.enqueue_indirect_dma source(%dma_start3A_175 : memref<100000x128xf32, #tpu.memory_space<hbm>>) target(%dma_start3A_171 : memref<200x128xf32, #tpu.memory_space<vmem>>) offsets(%dma_start3A_172 : memref<200xi32, #tpu.memory_space<vmem>>) semaphore(%arg8 : memref<!tpu.dma_semaphore, #tpu.memory_space<semaphore_mem>>)
      } else {
      }
      %mul3A_112 = arith.constant 2 : i32
      %mul3A_113 = arith.muli %mul3A_112, %scan3A_66 : i32
      %add3A_114 = arith.constant 1 : i32
      %add3A_115 = arith.addi %mul3A_113, %add3A_114 : i32
      %mul3A_116 = arith.constant 200 : i32
      %mul3A_117 = arith.muli %add3A_115, %mul3A_116 : i32
      %dma_wait3A_118 = arith.constant 1 : i32
      %dma_wait3A_119 = arith.constant 0 : i32
      %dma_wait3A_120 = arith.constant 0 : i32
      %dma_wait3A_121 = tpu.memref_slice %arg6[%dma_wait3A_118, %dma_wait3A_119, %dma_wait3A_120] : memref<2x200x128xf32, #tpu.memory_space<vmem>> -> memref<1x200x128xf32, #tpu.memory_space<vmem>>
      %dma_wait3A_122 = tpu.memref_squeeze %dma_wait3A_121 : memref<1x200x128xf32, #tpu.memory_space<vmem>> -> memref<200x128xf32, #tpu.memory_space<vmem>>
      %dma_wait3A_123 = tpu.memref_slice %arg5[%mul3A_117] : memref<25600xi32, #tpu.memory_space<vmem>> -> memref<200xi32, #tpu.memory_space<vmem>>
      %dma_wait3A_124 = arith.constant 0 : i32
      %dma_wait3A_125 = arith.constant 0 : i32
      %dma_wait3A_126 = tpu.memref_slice %arg3[%dma_wait3A_124, %dma_wait3A_125] : memref<100000x128xf32, #tpu.memory_space<hbm>> -> memref<100000x128xf32, #tpu.memory_space<hbm>>
      tpu.wait_indirect_dma semaphore(%arg9 : memref<!tpu.dma_semaphore, #tpu.memory_space<semaphore_mem>>) src(%dma_wait3A_126 : memref<100000x128xf32, #tpu.memory_space<hbm>>) dst(%dma_wait3A_122 : memref<200x128xf32, #tpu.memory_space<vmem>>)
      %ge3A_127 = arith.constant 2 : i32
      %ge3A_128 = arith.cmpi sge, %add3A_115, %ge3A_127 : i32
      %convert_element_type3A_129 = arith.extui %ge3A_128 : i1 to i32
      %cond3A_130 = arith.constant 0 : i32
      %cond3A_131 = arith.cmpi ne, %convert_element_type3A_129, %cond3A_130 : i32
      scf.if %cond3A_131 {
        %sub3A = arith.constant 2 : i32
        %sub3A_163 = arith.subi %add3A_115, %sub3A : i32
        %add3A_164 = arith.addi %mul3A_2, %sub3A_163 : i32
        %dma_wait3A_165 = arith.constant 1 : i32
        %dma_wait3A_166 = arith.constant 0 : i32
        %dma_wait3A_167 = arith.constant 0 : i32
        %dma_wait3A_168 = tpu.memref_slice %arg7[%dma_wait3A_165, %dma_wait3A_166, %dma_wait3A_167] : memref<2x200x64xf32, #tpu.memory_space<vmem>> -> memref<1x200x64xf32, #tpu.memory_space<vmem>>
        %dma_wait3A_169 = tpu.memref_squeeze %dma_wait3A_168 : memref<1x200x64xf32, #tpu.memory_space<vmem>> -> memref<200x64xf32, #tpu.memory_space<vmem>>
        %dma_wait3A_170 = arith.constant 0 : i32
        %dma_wait3A_171 = arith.constant 0 : i32
        %dma_wait3A_172 = tpu.memref_slice %arg4[%add3A_164, %dma_wait3A_170, %dma_wait3A_171] : memref<4096x200x64xf32, #tpu.memory_space<hbm>> -> memref<1x200x64xf32, #tpu.memory_space<hbm>>
        %dma_wait3A_173 = tpu.memref_squeeze %dma_wait3A_172 : memref<1x200x64xf32, #tpu.memory_space<hbm>> -> memref<200x64xf32, #tpu.memory_space<hbm>>
        %dma_wait3A_174 = arith.constant 0 : i32
        %dma_wait3A_175 = arith.constant 0 : i32
        %dma_wait3A_176 = tpu.memref_slice %arg4[%add3A_164, %dma_wait3A_174, %dma_wait3A_175] : memref<4096x200x64xf32, #tpu.memory_space<hbm>> -> memref<1x200x64xf32, #tpu.memory_space<hbm>>
        %dma_wait3A_177 = tpu.memref_squeeze %dma_wait3A_176 : memref<1x200x64xf32, #tpu.memory_space<hbm>> -> memref<200x64xf32, #tpu.memory_space<hbm>>
        %dma_wait3A_178 = arith.constant 0 : i32
        %dma_wait3A_179 = arith.constant 0 : i32
        %dma_wait3A_180 = tpu.memref_slice %arg7[%dma_wait3A_165, %dma_wait3A_178, %dma_wait3A_179] : memref<2x200x64xf32, #tpu.memory_space<vmem>> -> memref<1x200x64xf32, #tpu.memory_space<vmem>>
        %dma_wait3A_181 = tpu.memref_squeeze %dma_wait3A_180 : memref<1x200x64xf32, #tpu.memory_space<vmem>> -> memref<200x64xf32, #tpu.memory_space<vmem>>
        tpu.wait_dma2 semaphore(%arg11 : memref<!tpu.dma_semaphore, #tpu.memory_space<semaphore_mem>>) src(%dma_wait3A_181 : memref<200x64xf32, #tpu.memory_space<vmem>>) dst(%dma_wait3A_177 : memref<200x64xf32, #tpu.memory_space<hbm>>)
      } else {
      }
      %scan3A_132 = arith.constant 0 : i32
      %scan3A_133 = arith.constant 0 : i32
      %scan3A_134 = arith.constant 50 : i32
      %scan3A_135 = arith.addi %scan3A_133, %scan3A_134 : i32
      %scan3A_136 = arith.constant 1 : i32
      scf.for %scan3A_163 = %scan3A_133 to %scan3A_135 step %scan3A_136  : i32 {
        %mul3A_164 = arith.constant 4 : i32
        %mul3A_165 = arith.muli %scan3A_163, %mul3A_164 : i32
        %add3A_166 = arith.constant 0 : i32
        %add3A_167 = arith.addi %mul3A_165, %add3A_166 : i32
        %get3A = arith.constant 1 : i32
        %get3A_168 = arith.index_cast %get3A : i32 to index
        %get3A_169 = arith.index_cast %add3A_167 : i32 to index
        %get3A_170 = arith.constant 0 : index
        %get3A_171 = tpu.vector_load %arg6[%get3A_168, %get3A_169, %get3A_170] {strides = array<i32>} : memref<2x200x128xf32, #tpu.memory_space<vmem>>, vector<1x1x16xf32>,
        %get3A_172 = vector.shape_cast %get3A_171 : vector<1x1x16xf32> to vector<16xf32>
        %add3A_173 = arith.constant 0 : i32
        %add3A_174 = arith.addi %mul3A_165, %add3A_173 : i32
        %swap3A = arith.constant 1 : i32
        %swap3A_175 = arith.index_cast %swap3A : i32 to index
        %swap3A_176 = arith.index_cast %add3A_174 : i32 to index
        %swap3A_177 = arith.constant 0 : index
        %swap3A_178 = tpu.vector_load %arg7[%swap3A_175, %swap3A_176, %swap3A_177] {strides = array<i32>} : memref<2x200x64xf32, #tpu.memory_space<vmem>>, vector<1x1x16xf32>,
        %swap3A_179 = vector.shape_cast %swap3A_178 : vector<1x1x16xf32> to vector<16xf32>
        %swap3A_180 = vector.shape_cast %get3A_172 : vector<16xf32> to vector<1x1x16xf32>
        tpu.vector_store %arg7[%swap3A_175, %swap3A_176, %swap3A_177], %swap3A_180 {strides = array<i32>} : memref<2x200x64xf32, #tpu.memory_space<vmem>>, vector<1x1x16xf32>,
        %add3A_181 = arith.constant 0 : i32
        %add3A_182 = arith.addi %mul3A_165, %add3A_181 : i32
        %get3A_183 = arith.constant 1 : i32
        %get3A_184 = arith.index_cast %get3A_183 : i32 to index
        %get3A_185 = arith.index_cast %add3A_182 : i32 to index
        %get3A_186 = arith.constant 16 : index
        %get3A_187 = tpu.vector_load %arg6[%get3A_184, %get3A_185, %get3A_186] {strides = array<i32>} : memref<2x200x128xf32, #tpu.memory_space<vmem>>, vector<1x1x16xf32>,
        %get3A_188 = vector.shape_cast %get3A_187 : vector<1x1x16xf32> to vector<16xf32>
        %add3A_189 = arith.constant 0 : i32
        %add3A_190 = arith.addi %mul3A_165, %add3A_189 : i32
        %swap3A_191 = arith.constant 1 : i32
        %swap3A_192 = arith.index_cast %swap3A_191 : i32 to index
        %swap3A_193 = arith.index_cast %add3A_190 : i32 to index
        %swap3A_194 = arith.constant 16 : index
        %swap3A_195 = tpu.vector_load %arg7[%swap3A_192, %swap3A_193, %swap3A_194] {strides = array<i32>} : memref<2x200x64xf32, #tpu.memory_space<vmem>>, vector<1x1x16xf32>,
        %swap3A_196 = vector.shape_cast %swap3A_195 : vector<1x1x16xf32> to vector<16xf32>
        %swap3A_197 = vector.shape_cast %get3A_188 : vector<16xf32> to vector<1x1x16xf32>
        tpu.vector_store %arg7[%swap3A_192, %swap3A_193, %swap3A_194], %swap3A_197 {strides = array<i32>} : memref<2x200x64xf32, #tpu.memory_space<vmem>>, vector<1x1x16xf32>,
        %add3A_198 = arith.constant 0 : i32
        %add3A_199 = arith.addi %mul3A_165, %add3A_198 : i32
        %get3A_200 = arith.constant 1 : i32
        %get3A_201 = arith.index_cast %get3A_200 : i32 to index
        %get3A_202 = arith.index_cast %add3A_199 : i32 to index
        %get3A_203 = arith.constant 32 : index
        %get3A_204 = tpu.vector_load %arg6[%get3A_201, %get3A_202, %get3A_203] {strides = array<i32>} : memref<2x200x128xf32, #tpu.memory_space<vmem>>, vector<1x1x16xf32>,
        %get3A_205 = vector.shape_cast %get3A_204 : vector<1x1x16xf32> to vector<16xf32>
        %add3A_206 = arith.constant 0 : i32
        %add3A_207 = arith.addi %mul3A_165, %add3A_206 : i32
        %swap3A_208 = arith.constant 1 : i32
        %swap3A_209 = arith.index_cast %swap3A_208 : i32 to index
        %swap3A_210 = arith.index_cast %add3A_207 : i32 to index
        %swap3A_211 = arith.constant 32 : index
        %swap3A_212 = tpu.vector_load %arg7[%swap3A_209, %swap3A_210, %swap3A_211] {strides = array<i32>} : memref<2x200x64xf32, #tpu.memory_space<vmem>>, vector<1x1x16xf32>,
        %swap3A_213 = vector.shape_cast %swap3A_212 : vector<1x1x16xf32> to vector<16xf32>
        %swap3A_214 = vector.shape_cast %get3A_205 : vector<16xf32> to vector<1x1x16xf32>
        tpu.vector_store %arg7[%swap3A_209, %swap3A_210, %swap3A_211], %swap3A_214 {strides = array<i32>} : memref<2x200x64xf32, #tpu.memory_space<vmem>>, vector<1x1x16xf32>,
        %add3A_215 = arith.constant 0 : i32
        %add3A_216 = arith.addi %mul3A_165, %add3A_215 : i32
        %get3A_217 = arith.constant 1 : i32
        %get3A_218 = arith.index_cast %get3A_217 : i32 to index
        %get3A_219 = arith.index_cast %add3A_216 : i32 to index
        %get3A_220 = arith.constant 48 : index
        %get3A_221 = tpu.vector_load %arg6[%get3A_218, %get3A_219, %get3A_220] {strides = array<i32>} : memref<2x200x128xf32, #tpu.memory_space<vmem>>, vector<1x1x16xf32>,
        %get3A_222 = vector.shape_cast %get3A_221 : vector<1x1x16xf32> to vector<16xf32>
        %add3A_223 = arith.constant 0 : i32
        %add3A_224 = arith.addi %mul3A_165, %add3A_223 : i32
        %swap3A_225 = arith.constant 1 : i32
        %swap3A_226 = arith.index_cast %swap3A_225 : i32 to index
        %swap3A_227 = arith.index_cast %add3A_224 : i32 to index
        %swap3A_228 = arith.constant 48 : index
        %swap3A_229 = tpu.vector_load %arg7[%swap3A_226, %swap3A_227, %swap3A_228] {strides = array<i32>} : memref<2x200x64xf32, #tpu.memory_space<vmem>>, vector<1x1x16xf32>,
        %swap3A_230 = vector.shape_cast %swap3A_229 : vector<1x1x16xf32> to vector<16xf32>
        %swap3A_231 = vector.shape_cast %get3A_222 : vector<16xf32> to vector<1x1x16xf32>
        tpu.vector_store %arg7[%swap3A_226, %swap3A_227, %swap3A_228], %swap3A_231 {strides = array<i32>} : memref<2x200x64xf32, #tpu.memory_space<vmem>>, vector<1x1x16xf32>,
        %add3A_232 = arith.constant 1 : i32
        %add3A_233 = arith.addi %mul3A_165, %add3A_232 : i32
        %get3A_234 = arith.constant 1 : i32
        %get3A_235 = arith.index_cast %get3A_234 : i32 to index
        %get3A_236 = arith.index_cast %add3A_233 : i32 to index
        %get3A_237 = arith.constant 0 : index
        %get3A_238 = tpu.vector_load %arg6[%get3A_235, %get3A_236, %get3A_237] {strides = array<i32>} : memref<2x200x128xf32, #tpu.memory_space<vmem>>, vector<1x1x16xf32>,
        %get3A_239 = vector.shape_cast %get3A_238 : vector<1x1x16xf32> to vector<16xf32>
        %add3A_240 = arith.constant 1 : i32
        %add3A_241 = arith.addi %mul3A_165, %add3A_240 : i32
        %swap3A_242 = arith.constant 1 : i32
        %swap3A_243 = arith.index_cast %swap3A_242 : i32 to index
        %swap3A_244 = arith.index_cast %add3A_241 : i32 to index
        %swap3A_245 = arith.constant 0 : index
        %swap3A_246 = tpu.vector_load %arg7[%swap3A_243, %swap3A_244, %swap3A_245] {strides = array<i32>} : memref<2x200x64xf32, #tpu.memory_space<vmem>>, vector<1x1x16xf32>,
        %swap3A_247 = vector.shape_cast %swap3A_246 : vector<1x1x16xf32> to vector<16xf32>
        %swap3A_248 = vector.shape_cast %get3A_239 : vector<16xf32> to vector<1x1x16xf32>
        tpu.vector_store %arg7[%swap3A_243, %swap3A_244, %swap3A_245], %swap3A_248 {strides = array<i32>} : memref<2x200x64xf32, #tpu.memory_space<vmem>>, vector<1x1x16xf32>,
        %add3A_249 = arith.constant 1 : i32
        %add3A_250 = arith.addi %mul3A_165, %add3A_249 : i32
        %get3A_251 = arith.constant 1 : i32
        %get3A_252 = arith.index_cast %get3A_251 : i32 to index
        %get3A_253 = arith.index_cast %add3A_250 : i32 to index
        %get3A_254 = arith.constant 16 : index
        %get3A_255 = tpu.vector_load %arg6[%get3A_252, %get3A_253, %get3A_254] {strides = array<i32>} : memref<2x200x128xf32, #tpu.memory_space<vmem>>, vector<1x1x16xf32>,
        %get3A_256 = vector.shape_cast %get3A_255 : vector<1x1x16xf32> to vector<16xf32>
        %add3A_257 = arith.constant 1 : i32
        %add3A_258 = arith.addi %mul3A_165, %add3A_257 : i32
        %swap3A_259 = arith.constant 1 : i32
        %swap3A_260 = arith.index_cast %swap3A_259 : i32 to index
        %swap3A_261 = arith.index_cast %add3A_258 : i32 to index
        %swap3A_262 = arith.constant 16 : index
        %swap3A_263 = tpu.vector_load %arg7[%swap3A_260, %swap3A_261, %swap3A_262] {strides = array<i32>} : memref<2x200x64xf32, #tpu.memory_space<vmem>>, vector<1x1x16xf32>,
        %swap3A_264 = vector.shape_cast %swap3A_263 : vector<1x1x16xf32> to vector<16xf32>
        %swap3A_265 = vector.shape_cast %get3A_256 : vector<16xf32> to vector<1x1x16xf32>
        tpu.vector_store %arg7[%swap3A_260, %swap3A_261, %swap3A_262], %swap3A_265 {strides = array<i32>} : memref<2x200x64xf32, #tpu.memory_space<vmem>>, vector<1x1x16xf32>,
        %add3A_266 = arith.constant 1 : i32
        %add3A_267 = arith.addi %mul3A_165, %add3A_266 : i32
        %get3A_268 = arith.constant 1 : i32
        %get3A_269 = arith.index_cast %get3A_268 : i32 to index
        %get3A_270 = arith.index_cast %add3A_267 : i32 to index
        %get3A_271 = arith.constant 32 : index
        %get3A_272 = tpu.vector_load %arg6[%get3A_269, %get3A_270, %get3A_271] {strides = array<i32>} : memref<2x200x128xf32, #tpu.memory_space<vmem>>, vector<1x1x16xf32>,
        %get3A_273 = vector.shape_cast %get3A_272 : vector<1x1x16xf32> to vector<16xf32>
        %add3A_274 = arith.constant 1 : i32
        %add3A_275 = arith.addi %mul3A_165, %add3A_274 : i32
        %swap3A_276 = arith.constant 1 : i32
        %swap3A_277 = arith.index_cast %swap3A_276 : i32 to index
        %swap3A_278 = arith.index_cast %add3A_275 : i32 to index
        %swap3A_279 = arith.constant 32 : index
        %swap3A_280 = tpu.vector_load %arg7[%swap3A_277, %swap3A_278, %swap3A_279] {strides = array<i32>} : memref<2x200x64xf32, #tpu.memory_space<vmem>>, vector<1x1x16xf32>,
        %swap3A_281 = vector.shape_cast %swap3A_280 : vector<1x1x16xf32> to vector<16xf32>
        %swap3A_282 = vector.shape_cast %get3A_273 : vector<16xf32> to vector<1x1x16xf32>
        tpu.vector_store %arg7[%swap3A_277, %swap3A_278, %swap3A_279], %swap3A_282 {strides = array<i32>} : memref<2x200x64xf32, #tpu.memory_space<vmem>>, vector<1x1x16xf32>,
        %add3A_283 = arith.constant 1 : i32
        %add3A_284 = arith.addi %mul3A_165, %add3A_283 : i32
        %get3A_285 = arith.constant 1 : i32
        %get3A_286 = arith.index_cast %get3A_285 : i32 to index
        %get3A_287 = arith.index_cast %add3A_284 : i32 to index
        %get3A_288 = arith.constant 48 : index
        %get3A_289 = tpu.vector_load %arg6[%get3A_286, %get3A_287, %get3A_288] {strides = array<i32>} : memref<2x200x128xf32, #tpu.memory_space<vmem>>, vector<1x1x16xf32>,
        %get3A_290 = vector.shape_cast %get3A_289 : vector<1x1x16xf32> to vector<16xf32>
        %add3A_291 = arith.constant 1 : i32
        %add3A_292 = arith.addi %mul3A_165, %add3A_291 : i32
        %swap3A_293 = arith.constant 1 : i32
        %swap3A_294 = arith.index_cast %swap3A_293 : i32 to index
        %swap3A_295 = arith.index_cast %add3A_292 : i32 to index
        %swap3A_296 = arith.constant 48 : index
        %swap3A_297 = tpu.vector_load %arg7[%swap3A_294, %swap3A_295, %swap3A_296] {strides = array<i32>} : memref<2x200x64xf32, #tpu.memory_space<vmem>>, vector<1x1x16xf32>,
        %swap3A_298 = vector.shape_cast %swap3A_297 : vector<1x1x16xf32> to vector<16xf32>
        %swap3A_299 = vector.shape_cast %get3A_290 : vector<16xf32> to vector<1x1x16xf32>
        tpu.vector_store %arg7[%swap3A_294, %swap3A_295, %swap3A_296], %swap3A_299 {strides = array<i32>} : memref<2x200x64xf32, #tpu.memory_space<vmem>>, vector<1x1x16xf32>,
        %add3A_300 = arith.constant 2 : i32
        %add3A_301 = arith.addi %mul3A_165, %add3A_300 : i32
        %get3A_302 = arith.constant 1 : i32
        %get3A_303 = arith.index_cast %get3A_302 : i32 to index
        %get3A_304 = arith.index_cast %add3A_301 : i32 to index
        %get3A_305 = arith.constant 0 : index
        %get3A_306 = tpu.vector_load %arg6[%get3A_303, %get3A_304, %get3A_305] {strides = array<i32>} : memref<2x200x128xf32, #tpu.memory_space<vmem>>, vector<1x1x16xf32>,
        %get3A_307 = vector.shape_cast %get3A_306 : vector<1x1x16xf32> to vector<16xf32>
        %add3A_308 = arith.constant 2 : i32
        %add3A_309 = arith.addi %mul3A_165, %add3A_308 : i32
        %swap3A_310 = arith.constant 1 : i32
        %swap3A_311 = arith.index_cast %swap3A_310 : i32 to index
        %swap3A_312 = arith.index_cast %add3A_309 : i32 to index
        %swap3A_313 = arith.constant 0 : index
        %swap3A_314 = tpu.vector_load %arg7[%swap3A_311, %swap3A_312, %swap3A_313] {strides = array<i32>} : memref<2x200x64xf32, #tpu.memory_space<vmem>>, vector<1x1x16xf32>,
        %swap3A_315 = vector.shape_cast %swap3A_314 : vector<1x1x16xf32> to vector<16xf32>
        %swap3A_316 = vector.shape_cast %get3A_307 : vector<16xf32> to vector<1x1x16xf32>
        tpu.vector_store %arg7[%swap3A_311, %swap3A_312, %swap3A_313], %swap3A_316 {strides = array<i32>} : memref<2x200x64xf32, #tpu.memory_space<vmem>>, vector<1x1x16xf32>,
        %add3A_317 = arith.constant 2 : i32
        %add3A_318 = arith.addi %mul3A_165, %add3A_317 : i32
        %get3A_319 = arith.constant 1 : i32
        %get3A_320 = arith.index_cast %get3A_319 : i32 to index
        %get3A_321 = arith.index_cast %add3A_318 : i32 to index
        %get3A_322 = arith.constant 16 : index
        %get3A_323 = tpu.vector_load %arg6[%get3A_320, %get3A_321, %get3A_322] {strides = array<i32>} : memref<2x200x128xf32, #tpu.memory_space<vmem>>, vector<1x1x16xf32>,
        %get3A_324 = vector.shape_cast %get3A_323 : vector<1x1x16xf32> to vector<16xf32>
        %add3A_325 = arith.constant 2 : i32
        %add3A_326 = arith.addi %mul3A_165, %add3A_325 : i32
        %swap3A_327 = arith.constant 1 : i32
        %swap3A_328 = arith.index_cast %swap3A_327 : i32 to index
        %swap3A_329 = arith.index_cast %add3A_326 : i32 to index
        %swap3A_330 = arith.constant 16 : index
        %swap3A_331 = tpu.vector_load %arg7[%swap3A_328, %swap3A_329, %swap3A_330] {strides = array<i32>} : memref<2x200x64xf32, #tpu.memory_space<vmem>>, vector<1x1x16xf32>,
        %swap3A_332 = vector.shape_cast %swap3A_331 : vector<1x1x16xf32> to vector<16xf32>
        %swap3A_333 = vector.shape_cast %get3A_324 : vector<16xf32> to vector<1x1x16xf32>
        tpu.vector_store %arg7[%swap3A_328, %swap3A_329, %swap3A_330], %swap3A_333 {strides = array<i32>} : memref<2x200x64xf32, #tpu.memory_space<vmem>>, vector<1x1x16xf32>,
        %add3A_334 = arith.constant 2 : i32
        %add3A_335 = arith.addi %mul3A_165, %add3A_334 : i32
        %get3A_336 = arith.constant 1 : i32
        %get3A_337 = arith.index_cast %get3A_336 : i32 to index
        %get3A_338 = arith.index_cast %add3A_335 : i32 to index
        %get3A_339 = arith.constant 32 : index
        %get3A_340 = tpu.vector_load %arg6[%get3A_337, %get3A_338, %get3A_339] {strides = array<i32>} : memref<2x200x128xf32, #tpu.memory_space<vmem>>, vector<1x1x16xf32>,
        %get3A_341 = vector.shape_cast %get3A_340 : vector<1x1x16xf32> to vector<16xf32>
        %add3A_342 = arith.constant 2 : i32
        %add3A_343 = arith.addi %mul3A_165, %add3A_342 : i32
        %swap3A_344 = arith.constant 1 : i32
        %swap3A_345 = arith.index_cast %swap3A_344 : i32 to index
        %swap3A_346 = arith.index_cast %add3A_343 : i32 to index
        %swap3A_347 = arith.constant 32 : index
        %swap3A_348 = tpu.vector_load %arg7[%swap3A_345, %swap3A_346, %swap3A_347] {strides = array<i32>} : memref<2x200x64xf32, #tpu.memory_space<vmem>>, vector<1x1x16xf32>,
        %swap3A_349 = vector.shape_cast %swap3A_348 : vector<1x1x16xf32> to vector<16xf32>
        %swap3A_350 = vector.shape_cast %get3A_341 : vector<16xf32> to vector<1x1x16xf32>
        tpu.vector_store %arg7[%swap3A_345, %swap3A_346, %swap3A_347], %swap3A_350 {strides = array<i32>} : memref<2x200x64xf32, #tpu.memory_space<vmem>>, vector<1x1x16xf32>,
        %add3A_351 = arith.constant 2 : i32
        %add3A_352 = arith.addi %mul3A_165, %add3A_351 : i32
        %get3A_353 = arith.constant 1 : i32
        %get3A_354 = arith.index_cast %get3A_353 : i32 to index
        %get3A_355 = arith.index_cast %add3A_352 : i32 to index
        %get3A_356 = arith.constant 48 : index
        %get3A_357 = tpu.vector_load %arg6[%get3A_354, %get3A_355, %get3A_356] {strides = array<i32>} : memref<2x200x128xf32, #tpu.memory_space<vmem>>, vector<1x1x16xf32>,
        %get3A_358 = vector.shape_cast %get3A_357 : vector<1x1x16xf32> to vector<16xf32>
        %add3A_359 = arith.constant 2 : i32
        %add3A_360 = arith.addi %mul3A_165, %add3A_359 : i32
        %swap3A_361 = arith.constant 1 : i32
        %swap3A_362 = arith.index_cast %swap3A_361 : i32 to index
        %swap3A_363 = arith.index_cast %add3A_360 : i32 to index
        %swap3A_364 = arith.constant 48 : index
        %swap3A_365 = tpu.vector_load %arg7[%swap3A_362, %swap3A_363, %swap3A_364] {strides = array<i32>} : memref<2x200x64xf32, #tpu.memory_space<vmem>>, vector<1x1x16xf32>,
        %swap3A_366 = vector.shape_cast %swap3A_365 : vector<1x1x16xf32> to vector<16xf32>
        %swap3A_367 = vector.shape_cast %get3A_358 : vector<16xf32> to vector<1x1x16xf32>
        tpu.vector_store %arg7[%swap3A_362, %swap3A_363, %swap3A_364], %swap3A_367 {strides = array<i32>} : memref<2x200x64xf32, #tpu.memory_space<vmem>>, vector<1x1x16xf32>,
        %add3A_368 = arith.constant 3 : i32
        %add3A_369 = arith.addi %mul3A_165, %add3A_368 : i32
        %get3A_370 = arith.constant 1 : i32
        %get3A_371 = arith.index_cast %get3A_370 : i32 to index
        %get3A_372 = arith.index_cast %add3A_369 : i32 to index
        %get3A_373 = arith.constant 0 : index
        %get3A_374 = tpu.vector_load %arg6[%get3A_371, %get3A_372, %get3A_373] {strides = array<i32>} : memref<2x200x128xf32, #tpu.memory_space<vmem>>, vector<1x1x16xf32>,
        %get3A_375 = vector.shape_cast %get3A_374 : vector<1x1x16xf32> to vector<16xf32>
        %add3A_376 = arith.constant 3 : i32
        %add3A_377 = arith.addi %mul3A_165, %add3A_376 : i32
        %swap3A_378 = arith.constant 1 : i32
        %swap3A_379 = arith.index_cast %swap3A_378 : i32 to index
        %swap3A_380 = arith.index_cast %add3A_377 : i32 to index
        %swap3A_381 = arith.constant 0 : index
        %swap3A_382 = tpu.vector_load %arg7[%swap3A_379, %swap3A_380, %swap3A_381] {strides = array<i32>} : memref<2x200x64xf32, #tpu.memory_space<vmem>>, vector<1x1x16xf32>,
        %swap3A_383 = vector.shape_cast %swap3A_382 : vector<1x1x16xf32> to vector<16xf32>
        %swap3A_384 = vector.shape_cast %get3A_375 : vector<16xf32> to vector<1x1x16xf32>
        tpu.vector_store %arg7[%swap3A_379, %swap3A_380, %swap3A_381], %swap3A_384 {strides = array<i32>} : memref<2x200x64xf32, #tpu.memory_space<vmem>>, vector<1x1x16xf32>,
        %add3A_385 = arith.constant 3 : i32
        %add3A_386 = arith.addi %mul3A_165, %add3A_385 : i32
        %get3A_387 = arith.constant 1 : i32
        %get3A_388 = arith.index_cast %get3A_387 : i32 to index
        %get3A_389 = arith.index_cast %add3A_386 : i32 to index
        %get3A_390 = arith.constant 16 : index
        %get3A_391 = tpu.vector_load %arg6[%get3A_388, %get3A_389, %get3A_390] {strides = array<i32>} : memref<2x200x128xf32, #tpu.memory_space<vmem>>, vector<1x1x16xf32>,
        %get3A_392 = vector.shape_cast %get3A_391 : vector<1x1x16xf32> to vector<16xf32>
        %add3A_393 = arith.constant 3 : i32
        %add3A_394 = arith.addi %mul3A_165, %add3A_393 : i32
        %swap3A_395 = arith.constant 1 : i32
        %swap3A_396 = arith.index_cast %swap3A_395 : i32 to index
        %swap3A_397 = arith.index_cast %add3A_394 : i32 to index
        %swap3A_398 = arith.constant 16 : index
        %swap3A_399 = tpu.vector_load %arg7[%swap3A_396, %swap3A_397, %swap3A_398] {strides = array<i32>} : memref<2x200x64xf32, #tpu.memory_space<vmem>>, vector<1x1x16xf32>,
        %swap3A_400 = vector.shape_cast %swap3A_399 : vector<1x1x16xf32> to vector<16xf32>
        %swap3A_401 = vector.shape_cast %get3A_392 : vector<16xf32> to vector<1x1x16xf32>
        tpu.vector_store %arg7[%swap3A_396, %swap3A_397, %swap3A_398], %swap3A_401 {strides = array<i32>} : memref<2x200x64xf32, #tpu.memory_space<vmem>>, vector<1x1x16xf32>,
        %add3A_402 = arith.constant 3 : i32
        %add3A_403 = arith.addi %mul3A_165, %add3A_402 : i32
        %get3A_404 = arith.constant 1 : i32
        %get3A_405 = arith.index_cast %get3A_404 : i32 to index
        %get3A_406 = arith.index_cast %add3A_403 : i32 to index
        %get3A_407 = arith.constant 32 : index
        %get3A_408 = tpu.vector_load %arg6[%get3A_405, %get3A_406, %get3A_407] {strides = array<i32>} : memref<2x200x128xf32, #tpu.memory_space<vmem>>, vector<1x1x16xf32>,
        %get3A_409 = vector.shape_cast %get3A_408 : vector<1x1x16xf32> to vector<16xf32>
        %add3A_410 = arith.constant 3 : i32
        %add3A_411 = arith.addi %mul3A_165, %add3A_410 : i32
        %swap3A_412 = arith.constant 1 : i32
        %swap3A_413 = arith.index_cast %swap3A_412 : i32 to index
        %swap3A_414 = arith.index_cast %add3A_411 : i32 to index
        %swap3A_415 = arith.constant 32 : index
        %swap3A_416 = tpu.vector_load %arg7[%swap3A_413, %swap3A_414, %swap3A_415] {strides = array<i32>} : memref<2x200x64xf32, #tpu.memory_space<vmem>>, vector<1x1x16xf32>,
        %swap3A_417 = vector.shape_cast %swap3A_416 : vector<1x1x16xf32> to vector<16xf32>
        %swap3A_418 = vector.shape_cast %get3A_409 : vector<16xf32> to vector<1x1x16xf32>
        tpu.vector_store %arg7[%swap3A_413, %swap3A_414, %swap3A_415], %swap3A_418 {strides = array<i32>} : memref<2x200x64xf32, #tpu.memory_space<vmem>>, vector<1x1x16xf32>,
        %add3A_419 = arith.constant 3 : i32
        %add3A_420 = arith.addi %mul3A_165, %add3A_419 : i32
        %get3A_421 = arith.constant 1 : i32
        %get3A_422 = arith.index_cast %get3A_421 : i32 to index
        %get3A_423 = arith.index_cast %add3A_420 : i32 to index
        %get3A_424 = arith.constant 48 : index
        %get3A_425 = tpu.vector_load %arg6[%get3A_422, %get3A_423, %get3A_424] {strides = array<i32>} : memref<2x200x128xf32, #tpu.memory_space<vmem>>, vector<1x1x16xf32>,
        %get3A_426 = vector.shape_cast %get3A_425 : vector<1x1x16xf32> to vector<16xf32>
        %add3A_427 = arith.constant 3 : i32
        %add3A_428 = arith.addi %mul3A_165, %add3A_427 : i32
        %swap3A_429 = arith.constant 1 : i32
        %swap3A_430 = arith.index_cast %swap3A_429 : i32 to index
        %swap3A_431 = arith.index_cast %add3A_428 : i32 to index
        %swap3A_432 = arith.constant 48 : index
        %swap3A_433 = tpu.vector_load %arg7[%swap3A_430, %swap3A_431, %swap3A_432] {strides = array<i32>} : memref<2x200x64xf32, #tpu.memory_space<vmem>>, vector<1x1x16xf32>,
        %swap3A_434 = vector.shape_cast %swap3A_433 : vector<1x1x16xf32> to vector<16xf32>
        %swap3A_435 = vector.shape_cast %get3A_426 : vector<16xf32> to vector<1x1x16xf32>
        tpu.vector_store %arg7[%swap3A_430, %swap3A_431, %swap3A_432], %swap3A_435 {strides = array<i32>} : memref<2x200x64xf32, #tpu.memory_space<vmem>>, vector<1x1x16xf32>,
      }
      %scan3A_137 = arith.constant 50 : i32
      %add3A_138 = arith.addi %mul3A_2, %add3A_115 : i32
      %dma_start3A_139 = arith.constant 1 : i32
      %dma_start3A_140 = arith.constant 0 : i32
      %dma_start3A_141 = arith.constant 0 : i32
      %dma_start3A_142 = tpu.memref_slice %arg7[%dma_start3A_139, %dma_start3A_140, %dma_start3A_141] : memref<2x200x64xf32, #tpu.memory_space<vmem>> -> memref<1x200x64xf32, #tpu.memory_space<vmem>>
      %dma_start3A_143 = tpu.memref_squeeze %dma_start3A_142 : memref<1x200x64xf32, #tpu.memory_space<vmem>> -> memref<200x64xf32, #tpu.memory_space<vmem>>
      %dma_start3A_144 = arith.constant 0 : i32
      %dma_start3A_145 = arith.constant 0 : i32
      %dma_start3A_146 = tpu.memref_slice %arg4[%add3A_138, %dma_start3A_144, %dma_start3A_145] : memref<4096x200x64xf32, #tpu.memory_space<hbm>> -> memref<1x200x64xf32, #tpu.memory_space<hbm>>
      %dma_start3A_147 = tpu.memref_squeeze %dma_start3A_146 : memref<1x200x64xf32, #tpu.memory_space<hbm>> -> memref<200x64xf32, #tpu.memory_space<hbm>>
      %dma_start3A_148 = arith.constant 0 : i32
      %dma_start3A_149 = arith.constant 0 : i32
      %dma_start3A_150 = tpu.memref_slice %arg4[%add3A_138, %dma_start3A_148, %dma_start3A_149] : memref<4096x200x64xf32, #tpu.memory_space<hbm>> -> memref<1x200x64xf32, #tpu.memory_space<hbm>>
      %dma_start3A_151 = tpu.memref_squeeze %dma_start3A_150 : memref<1x200x64xf32, #tpu.memory_space<hbm>> -> memref<200x64xf32, #tpu.memory_space<hbm>>
      %dma_start3A_152 = arith.constant 0 : i32
      %dma_start3A_153 = arith.constant 0 : i32
      %dma_start3A_154 = tpu.memref_slice %arg7[%dma_start3A_139, %dma_start3A_152, %dma_start3A_153] : memref<2x200x64xf32, #tpu.memory_space<vmem>> -> memref<1x200x64xf32, #tpu.memory_space<vmem>>
      %dma_start3A_155 = tpu.memref_squeeze %dma_start3A_154 : memref<1x200x64xf32, #tpu.memory_space<vmem>> -> memref<200x64xf32, #tpu.memory_space<vmem>>
      tpu.enqueue_dma source(%dma_start3A_155 : memref<200x64xf32, #tpu.memory_space<vmem>>) target(%dma_start3A_151 : memref<200x64xf32, #tpu.memory_space<hbm>>) target_semaphore(%arg11 : memref<!tpu.dma_semaphore, #tpu.memory_space<semaphore_mem>>)
      %add3A_156 = arith.constant 2 : i32
      %add3A_157 = arith.addi %add3A_115, %add3A_156 : i32
      %lt3A_158 = arith.constant 128 : i32
      %lt3A_159 = arith.cmpi slt, %add3A_157, %lt3A_158 : i32
      %convert_element_type3A_160 = arith.extui %lt3A_159 : i1 to i32
      %cond3A_161 = arith.constant 0 : i32
      %cond3A_162 = arith.cmpi ne, %convert_element_type3A_160, %cond3A_161 : i32
      scf.if %cond3A_162 {
        %add3A_163 = arith.constant 2 : i32
        %add3A_164 = arith.addi %add3A_115, %add3A_163 : i32
        %mul3A_165 = arith.constant 200 : i32
        %mul3A_166 = arith.muli %add3A_164, %mul3A_165 : i32
        %dma_start3A_167 = arith.constant 1 : i32
        %dma_start3A_168 = arith.constant 0 : i32
        %dma_start3A_169 = arith.constant 0 : i32
        %dma_start3A_170 = tpu.memref_slice %arg6[%dma_start3A_167, %dma_start3A_168, %dma_start3A_169] : memref<2x200x128xf32, #tpu.memory_space<vmem>> -> memref<1x200x128xf32, #tpu.memory_space<vmem>>
        %dma_start3A_171 = tpu.memref_squeeze %dma_start3A_170 : memref<1x200x128xf32, #tpu.memory_space<vmem>> -> memref<200x128xf32, #tpu.memory_space<vmem>>
        %dma_start3A_172 = tpu.memref_slice %arg5[%mul3A_166] : memref<25600xi32, #tpu.memory_space<vmem>> -> memref<200xi32, #tpu.memory_space<vmem>>
        %dma_start3A_173 = arith.constant 0 : i32
        %dma_start3A_174 = arith.constant 0 : i32
        %dma_start3A_175 = tpu.memref_slice %arg3[%dma_start3A_173, %dma_start3A_174] : memref<100000x128xf32, #tpu.memory_space<hbm>> -> memref<100000x128xf32, #tpu.memory_space<hbm>>
        tpu.enqueue_indirect_dma source(%dma_start3A_175 : memref<100000x128xf32, #tpu.memory_space<hbm>>) target(%dma_start3A_171 : memref<200x128xf32, #tpu.memory_space<vmem>>) offsets(%dma_start3A_172 : memref<200xi32, #tpu.memory_space<vmem>>) semaphore(%arg9 : memref<!tpu.dma_semaphore, #tpu.memory_space<semaphore_mem>>)
      } else {
      }
    }
    %scan3A_28 = arith.constant 64 : i32
    %add3A_29 = arith.constant 126 : i32
    %add3A_30 = arith.addi %mul3A_2, %add3A_29 : i32
    %dma_wait3A = arith.constant 0 : i32
    %dma_wait3A_31 = arith.constant 0 : i32
    %dma_wait3A_32 = arith.constant 0 : i32
    %dma_wait3A_33 = tpu.memref_slice %arg7[%dma_wait3A, %dma_wait3A_31, %dma_wait3A_32] : memref<2x200x64xf32, #tpu.memory_space<vmem>> -> memref<1x200x64xf32, #tpu.memory_space<vmem>>
    %dma_wait3A_34 = tpu.memref_squeeze %dma_wait3A_33 : memref<1x200x64xf32, #tpu.memory_space<vmem>> -> memref<200x64xf32, #tpu.memory_space<vmem>>
    %dma_wait3A_35 = arith.constant 0 : i32
    %dma_wait3A_36 = arith.constant 0 : i32
    %dma_wait3A_37 = tpu.memref_slice %arg4[%add3A_30, %dma_wait3A_35, %dma_wait3A_36] : memref<4096x200x64xf32, #tpu.memory_space<hbm>> -> memref<1x200x64xf32, #tpu.memory_space<hbm>>
    %dma_wait3A_38 = tpu.memref_squeeze %dma_wait3A_37 : memref<1x200x64xf32, #tpu.memory_space<hbm>> -> memref<200x64xf32, #tpu.memory_space<hbm>>
    %dma_wait3A_39 = arith.constant 0 : i32
    %dma_wait3A_40 = arith.constant 0 : i32
    %dma_wait3A_41 = tpu.memref_slice %arg4[%add3A_30, %dma_wait3A_39, %dma_wait3A_40] : memref<4096x200x64xf32, #tpu.memory_space<hbm>> -> memref<1x200x64xf32, #tpu.memory_space<hbm>>
    %dma_wait3A_42 = tpu.memref_squeeze %dma_wait3A_41 : memref<1x200x64xf32, #tpu.memory_space<hbm>> -> memref<200x64xf32, #tpu.memory_space<hbm>>
    %dma_wait3A_43 = arith.constant 0 : i32
    %dma_wait3A_44 = arith.constant 0 : i32
    %dma_wait3A_45 = tpu.memref_slice %arg7[%dma_wait3A, %dma_wait3A_43, %dma_wait3A_44] : memref<2x200x64xf32, #tpu.memory_space<vmem>> -> memref<1x200x64xf32, #tpu.memory_space<vmem>>
    %dma_wait3A_46 = tpu.memref_squeeze %dma_wait3A_45 : memref<1x200x64xf32, #tpu.memory_space<vmem>> -> memref<200x64xf32, #tpu.memory_space<vmem>>
    tpu.wait_dma2 semaphore(%arg10 : memref<!tpu.dma_semaphore, #tpu.memory_space<semaphore_mem>>) src(%dma_wait3A_46 : memref<200x64xf32, #tpu.memory_space<vmem>>) dst(%dma_wait3A_42 : memref<200x64xf32, #tpu.memory_space<hbm>>)
    %add3A_47 = arith.constant 127 : i32
    %add3A_48 = arith.addi %mul3A_2, %add3A_47 : i32
    %dma_wait3A_49 = arith.constant 1 : i32
    %dma_wait3A_50 = arith.constant 0 : i32
    %dma_wait3A_51 = arith.constant 0 : i32
    %dma_wait3A_52 = tpu.memref_slice %arg7[%dma_wait3A_49, %dma_wait3A_50, %dma_wait3A_51] : memref<2x200x64xf32, #tpu.memory_space<vmem>> -> memref<1x200x64xf32, #tpu.memory_space<vmem>>
    %dma_wait3A_53 = tpu.memref_squeeze %dma_wait3A_52 : memref<1x200x64xf32, #tpu.memory_space<vmem>> -> memref<200x64xf32, #tpu.memory_space<vmem>>
    %dma_wait3A_54 = arith.constant 0 : i32
    %dma_wait3A_55 = arith.constant 0 : i32
    %dma_wait3A_56 = tpu.memref_slice %arg4[%add3A_48, %dma_wait3A_54, %dma_wait3A_55] : memref<4096x200x64xf32, #tpu.memory_space<hbm>> -> memref<1x200x64xf32, #tpu.memory_space<hbm>>
    %dma_wait3A_57 = tpu.memref_squeeze %dma_wait3A_56 : memref<1x200x64xf32, #tpu.memory_space<hbm>> -> memref<200x64xf32, #tpu.memory_space<hbm>>
    %dma_wait3A_58 = arith.constant 0 : i32
    %dma_wait3A_59 = arith.constant 0 : i32
    %dma_wait3A_60 = tpu.memref_slice %arg4[%add3A_48, %dma_wait3A_58, %dma_wait3A_59] : memref<4096x200x64xf32, #tpu.memory_space<hbm>> -> memref<1x200x64xf32, #tpu.memory_space<hbm>>
    %dma_wait3A_61 = tpu.memref_squeeze %dma_wait3A_60 : memref<1x200x64xf32, #tpu.memory_space<hbm>> -> memref<200x64xf32, #tpu.memory_space<hbm>>
    %dma_wait3A_62 = arith.constant 0 : i32
    %dma_wait3A_63 = arith.constant 0 : i32
    %dma_wait3A_64 = tpu.memref_slice %arg7[%dma_wait3A_49, %dma_wait3A_62, %dma_wait3A_63] : memref<2x200x64xf32, #tpu.memory_space<vmem>> -> memref<1x200x64xf32, #tpu.memory_space<vmem>>
    %dma_wait3A_65 = tpu.memref_squeeze %dma_wait3A_64 : memref<1x200x64xf32, #tpu.memory_space<vmem>> -> memref<200x64xf32, #tpu.memory_space<vmem>>
    tpu.wait_dma2 semaphore(%arg11 : memref<!tpu.dma_semaphore, #tpu.memory_space<semaphore_mem>>) src(%dma_wait3A_65 : memref<200x64xf32, #tpu.memory_space<vmem>>) dst(%dma_wait3A_61 : memref<200x64xf32, #tpu.memory_space<hbm>>)
    return
  }
}

</mosaic_0001>

<sc_bundles>
// kernel: kernel.3.cloned.1.call-start
scs
__scs_entry_jumppad:
0x0: {  	(pc) =	sbr.rel $0x88, $3  }
0x1: {  	(tag) =	ssettag $0x0;
	lr =	simm.s32 $0x1  }
0x2: {  	[smem:$0x3F9F] =	sst lr;
	_ =	strace $0xD0000000  }
0x3: {  	_ = 	snop  }
0x4: {  	_ = 	snop  }
0x5: {  	_ = 	snop  }
0x6: {  	_ = 	snop  }
0x7: {  	_ = 	snop  }
__scs_overlays_trampoline_lowered:
0x8: {  	[smem:$0x3FAE] =	sst s0  }
0x9: {  	[smem:$0x3FAF] =	sst s1  }
0xa: {  	[smem:$0x3FB0] =	sst s2  }
0xb: {  	[smem:$0x3FB1] =	sst s3  }
0xc: {  	[smem:$0x3FB2] =	sst s4  }
0xd: {  	[smem:$0x3FB3] =	sst s5  }
0xe: {  	[smem:$0x3FB4] =	sst s6  }
0xf: {  	[smem:$0x3FB5] =	sst s7  }
0x10: {  	[smem:$0x3FB6] =	sst s8  }
0x11: {  	[smem:$0x3FB7] =	sst s9;
	s0 =	simm.s32 @!p0 $0x0  }
0x12: {  	s1 =	sld [smem:$0x3F9D];
	s0 =	simm.s32 @p0 $0x1  }
0x13: {  	[smem:$0x3FB8] =	sst s0;
	s0 =	simm.s32 @!p1 $0x0  }
0x14: {  	s2 =	sld [smem:$0x3F9C];
	s0 =	simm.s32 @p1 $0x1  }
0x15: {  	[smem:$0x3FB9] =	sst s0;
	s0 =	simm.s32 @!p2 $0x0  }
0x16: {  	s3 =	sld [smem:$0x3FDB];
	s0 =	simm.s32 @p2 $0x1  }
0x17: {  	s4 =	simm.s32 $0x1BF5;
	[smem:$0x3FBB] =	sst s0  }
0x18: {  	s0 =	sld [smem:$0x3F9E];
	_ =	swait.ge [sflag:s4], $0x0  }
0x19: {  	s7 =	sld [smem:$0x3F9F]  }
0x1a: {  	s8 =	sadd.s32 $0xFFFFE003, lr  }
0x1b: {  	s9 =	sadd.s32 $0xFFFFFEF7, lr;
	s5 =	simm.s32 $0xFFFFFFFF;
	p2 =	slt.u32 s8, $0xFFFFF086  }
0x1c: {  	p1 =	slt.u32 s9, $0xF7A;
	s5 =	simm.s32 @!p2 $0x0  }
0x1d: {  	s5 =	simm.s32 @p1 $0x1;
	p0 =	seq.s32 s7, s2  }
0x1e: {  	s7 =	smul.u32 @!p0 $0xF7A, s2;
	p2 =	seq.s32 @!p0 s5, $0x0  }
0x1f: {  	s9 =	smul.u32 $0xF7A, s1;
	s8 =	simm.s32 @!p0 $0x1BF5;
	p2 =	por !p2, p0  }
0x20: {  	[sflag:s8] =	ssyncset.s32 @!p0 $0xFFFFF086;
	s6 =	sadd.s32 @!p0 s3, s7;
	s7 =	simm.s32 @!p0 $0x108  }
0x21: {  	s3 =	sadd.s32 s3, s9;
	s6 =	sadd.s32 @!p0 $0x88, s6;
	s7 =	simm.s32 @p2 $0x1082  }
0x22: {  	[simem:s7], [sflag:s8] =	dma.local @!p0 [hbm:s6], $0xF7A  }
0x23: {  	s9 =	sor.u32 $0xD0000000, s2;
	s6 =	simm.s32 $0x108;
	_ =	swait.ge @!p0 [sflag:s8], $0x0  }
0x24: {  	s3 =	sadd.s32 $0x88, s3;
	s6 =	simm.s32 @!p1 $0x1082;
	[sflag:s4] =	ssyncset.s32 $0xFFFFF086  }
0x25: {  	[simem:s6], [sflag:s4] =	dma.local [hbm:s3], $0xF7A  }
0x26: {  	[smem:$0x3F9F] =	sst s1;
	(tag) =	ssettag s2;
	_ =	strace s9  }
0x27: {  	s1 =	sld [smem:$0x3FAF]  }
0x28: {  	s2 =	sld [smem:$0x3FB0]  }
0x29: {  	s4 =	sld [smem:$0x3FB2]  }
0x2a: {  	p0 =	seq.s32 s5, $0x0;
	s5 =	sld [smem:$0x3FB3]  }
0x2b: {  	s6 =	sld [smem:$0x3FB4]  }
0x2c: {  	s7 =	sld [smem:$0x3FB5]  }
0x2d: {  	s3 =	simm.s32 $0x108;
	s8 =	sld [smem:$0x3FB6]  }
0x2e: {  	s3 =	simm.s32 @!p0 $0x1082;
	s9 =	sld [smem:$0x3FB7]  }
0x2f: {  	lr =	sadd.s32 s0, s3;
	s0 =	sld [smem:$0x3FAE]  }
0x30: {  	s3 =	sld [smem:$0x3FB1]  }
0x31: {  	[smem:$0x3FBA] =	sst s10  }
0x32: {  	s10 =	sld [smem:$0x3FB8];
	_ =	sdelay $0x3  }
0x33: {  	p0 =	seq.s32 s10, $0x1;
	s10 =	sld [smem:$0x3FBA];
	_ =	sdelay $0x3  }
0x34: {  	[smem:$0x3FBA] =	sst s10  }
0x35: {  	s10 =	sld [smem:$0x3FB9];
	_ =	sdelay $0x3  }
0x36: {  	p1 =	seq.s32 s10, $0x1;
	s10 =	sld [smem:$0x3FBA];
	_ =	sdelay $0x3  }
0x37: {  	[smem:$0x3FBA] =	sst s10  }
0x38: {  	s10 =	sld [smem:$0x3FBB]  }
0x39: {  	_ = 	snop;
	(pc) =	sbr.ind lr, $3  }
0x3a: {  	_ = 	snop  }
0x3b: {  	_ = 	snop  }
0x3c: {  	p2 =	seq.s32 s10, $0x1;
	s10 =	sld [smem:$0x3FBA]  }
0x3d: {  	_ =	shalt  }
0x3e: {  	_ =	shalt  }
0x3f: {  	_ =	shalt  }
0x40: {  	_ =	shalt  }
0x41: {  	_ =	shalt  }
0x42: {  	_ =	shalt  }
0x43: {  	_ =	shalt  }
0x44: {  	_ =	shalt  }
0x45: {  	_ =	shalt  }
0x46: {  	_ =	shalt  }
0x47: {  	_ =	shalt  }
0x48: {  	_ =	shalt  }
0x49: {  	_ =	shalt  }
0x4a: {  	_ =	shalt  }
0x4b: {  	_ =	shalt  }
0x4c: {  	_ =	shalt  }
0x4d: {  	_ =	shalt  }
0x4e: {  	_ =	shalt  }
0x4f: {  	_ =	shalt  }
0x50: {  	_ =	shalt  }
0x51: {  	_ =	shalt  }
0x52: {  	_ =	shalt  }
0x53: {  	_ =	shalt  }
0x54: {  	_ =	shalt  }
0x55: {  	_ =	shalt  }
0x56: {  	_ =	shalt  }
0x57: {  	_ =	shalt  }
0x58: {  	_ =	shalt  }
0x59: {  	_ =	shalt  }
0x5a: {  	_ =	shalt  }
0x5b: {  	_ =	shalt  }
0x5c: {  	_ =	shalt  }
0x5d: {  	_ =	shalt  }
0x5e: {  	_ =	shalt  }
0x5f: {  	_ =	shalt  }
0x60: {  	_ =	shalt  }
0x61: {  	_ =	shalt  }
0x62: {  	_ =	shalt  }
0x63: {  	_ =	shalt  }
0x64: {  	_ =	shalt  }
0x65: {  	_ =	shalt  }
0x66: {  	_ =	shalt  }
0x67: {  	_ =	shalt  }
0x68: {  	_ =	shalt  }
0x69: {  	_ =	shalt  }
0x6a: {  	_ =	shalt  }
0x6b: {  	_ =	shalt  }
0x6c: {  	_ =	shalt  }
0x6d: {  	_ =	shalt  }
0x6e: {  	_ =	shalt  }
0x6f: {  	_ =	shalt  }
0x70: {  	_ =	shalt  }
0x71: {  	_ =	shalt  }
0x72: {  	_ =	shalt  }
0x73: {  	_ =	shalt  }
0x74: {  	_ =	shalt  }
0x75: {  	_ =	shalt  }
0x76: {  	_ =	shalt  }
0x77: {  	_ =	shalt  }
0x78: {  	_ =	shalt  }
0x79: {  	_ =	shalt  }
0x7a: {  	_ =	shalt  }
0x7b: {  	_ =	shalt  }
0x7c: {  	_ =	shalt  }
0x7d: {  	_ =	shalt  }
0x7e: {  	_ =	shalt  }
0x7f: {  	_ =	shalt  }
0x80: {  	_ =	shalt  }
0x81: {  	_ =	shalt  }
0x82: {  	_ =	shalt  }
0x83: {  	_ =	shalt  }
0x84: {  	_ =	shalt  }
0x85: {  	_ =	shalt  }
0x86: {  	_ =	shalt  }
0x87: {  	_ =	shalt  }
.Lfunc_end0:
.L_simem_size_0:
called_computation_lowered:
.L_overlay_start_0:
0x88: {  	s2 =	sld [smem:$0x3FD9]  }
0x89: {  	s3 =	sld [smem:$0x3FFE];
	_ =	sdelay $0x1  }
0x8a: {  	s1 =	srdreg.scid  }
0x8b: {  	s0 =	sand.u32 $0x1, s1  }
0x8c: {  	s16 =	sshll.u32 s0, $0xA;
	s2 =	sadd.s32 s3, s2  }
0x8d: {  	s2 =	sadd.s32 s2, s16  }
0x8e: {  	[smem:$0x3FC6] =	sst s2  }
0x8f: {  	_ = 	snop  }
0x90: {  	(tm) =	ssettm $0x1  }
0x91: {  	s17 =	sld [smem:$0x3FFB];
	_ =	sdelay $0x3  }
0x92: {  	_ =	strace s17  }
0x93: {  	s2 =	sld [smem:$0x3FFC];
	_ =	sdelay $0x3  }
0x94: {  	_ =	strace s2  }
0x95: {  	s2 =	sld [smem:$0x3FFD];
	_ =	sdelay $0x3  }
0x96: {  	_ =	strace s2  }
0x97: {  	_ =	strace $0x8FFFFFFF  }
0x98: {  	s18 =	sld [smem:$0x3FDB];
	_ =	sdelay $0x1  }
0x99: {  	s19 =	simm.s32 $_scs_section_size  }
0x9a: {  	s4 =	simm.s32 $_size__tile_overlayer_lowered;
	s5 =	simm.s32 $_tile_overlayer_lowered  }
0x9b: {  	s22 =	simm.s32 $0x1BFF;
	s21 =	sshll.u32 s5, $0x1;
	s2 =	sadd.s32 s19, s18  }
0x9c: {  	s6 =	simm.s32 $0x0;
	s20 =	sshll.u32 s4, $0x1;
	s4 =	sadd.s32 s21, s2  }
0x9d: {  	[timem:s6], [sflag:s22] =	dma.local [hbm:s4], s20  }
0x9e: {  	_ =	swait.ge [sflag:s22], s20  }
0x9f: {  	s3 =	ssub.s32 $0x0, s20;
	[sflag:s22] =	ssyncset.done $0x0  }
0xa0: {  	[sflag:s22] =	ssyncadd.s32 s3;
	_ =	sdelay $0x1  }
0xa1: {  	s23 =	simm.s32 $0x1B8B  }
0xa2: {  	_ =	swait.ge [sflag:s23], $0x1  }
0xa3: {  	[sflag:s23] =	ssyncset.done $0x0  }
0xa4: {  	s25 =	simm.s32 $0x1B8E;
	s24 =	sld [smem:$0x3FFE];
	[sflag:s23] =	ssyncadd.s32 $0xFFFFFFFF  }
0xa5: {  	s26 =	simm.s32 $execute0_lowered;
	[smem:$0x3FD2] =	sst s25  }
0xa6: {  	s4 =	sshll.u32 s26, $0x1;
	_ =	strace $0x80000046;
	[dreg:$0x1] =	wrdreg $0xFFFFFFFF  }
0xa7: {  	s28 =	simm.s32 $_size_execute0_lowered;
	s2 =	sadd.s32 s2, s4;
	[dreg:$0x0] =	wrdreg $0x0  }
0xa8: {  	s4 =	sshll.u32 s28, $0x1;
	[dreg:$0x2] =	wrdreg s2  }
0xa9: {  	[dreg:$0x3] =	wrdreg s4  }
0xaa: {  	[dreg:$0x4] =	wrdreg $0xC0  }
0xab: {  	_ =	task [dreg:s6], $0x5FFFF  }
0xac: {  	[dreg:$0x1] =	wrdreg $0xFFFFFFFF  }
0xad: {  	[dreg:$0x0] =	wrdreg $0x60  }
0xae: {  	[dreg:$0x2] =	wrdreg s24  }
0xaf: {  	[dreg:$0x3] =	wrdreg $0x9  }
0xb0: {  	_ =	task.clear_ibuf [dreg:s6], $0x4FFFF;
	_ =	strace $0x90000046  }
0xb1: {  	s29 =	simm.s32 $0x9;
	_ =	strace $0x80000048  }
0xb2: {  	_ =	swait.ge [sflag:s29], $0x1  }
0xb3: {  	[sflag:s29] =	ssyncadd.s32 $0xFFFFFFFF  }
0xb4: {  	_ =	strace $0x90000048  }
0xb5: {  	_ =	sfence  }
0xb6: {  	s30 =	sld [smem:$0x0];
	_ =	sdelay $0x2  }
0xb7: {  	s31 =	sshll.u32 s1, $0xD;
	s1 =	sshrl.u32 s1, $0x2  }
0xb8: {  	s3 =	sand.u32 $0x4000, s31;
	s1 =	sadd.s32 s1, s30  }
0xb9: {  	s0 =	sor.u32 s3, s0;
	s1 =	sshll.u32 s1, $0x11  }
0xba: {  	s0 =	sor.u32 s1, s0  }
0xbb: {  	s0 =	sadd.s32 $0x8F2B, s0  }
0xbc: {  	[sflag:s0] =	ssyncadd.remote.s32 $0x1  }
0xbd: {  	_ =	sfence.sel $0xFFFF  }
0xbe: {  	[dreg:$0x0] =	wrdreg $0xFFFFFFFF;
	(pc) =	sbr.abs _section_cstart, $3  }
0xbf: {  	[dreg:$0x1] =	wrdreg $0xFFFFFFFF  }
0xc0: {  	_ =	task.clear_ibuf [dreg:s6], $0x2FFFF;
	_ =	strace $0x9FFFFFFF  }
0xc1: {  	(tm) =	ssettm $0x7FFFFFFF  }
tec
execute0_lowered:
.L_overlay_start_1:
0x0: {  	(tag) =	ssettag $0x1  }
0x1: {  	s1 =	srdreg.scid;
	s0 =	stileid.u32  }
0x2: {  	s4 =	rddreg [dreg:$0x0];
	s2 =	simm.s32 $0x0;
	s9 =	simm.s32 $0xC8  }
0x3: {  	s10 =	simm.s32 $0x6400;
	s11 =	simm.s32 $0xC800;
	s12 =	simm.s32 $0x1  }
0x4: {  	s13 =	simm.s32 $0x12C00;
	s14 =	simm.s32 $0x2;
	s15 =	simm.s32 $0x19000  }
0x5: {  	s16 =	simm.s32 $0x3;
	s17 =	simm.s32 $0x4;
	s18 =	simm.s32 $0x0  }
0x6: {  	s3 =	sand.u32 $0x1, s1;
	s31 =	sshll.u32 s0, $0x1;
	s1 =	rddreg [dreg:$0x1]  }
.Ltmp0:
0x7: {  	[smem:$0x7FF] =	sst s2;
	s5 =	sor.u32 s3, s31;
	(pc) =	sbr.rel .LBB2_1-.Ltmp0, $4  }
0x8: {  	_ =	strace $0x80000047;
	s7 =	ssub.s32 $0x2, s3;
	s6 =	smul.u32 $0xC80, s5  }
0x9: {  	s3 =	sadd.s32 $0x19400, s4;
	s8 =	sshrl.u32 s7, $0x1;
	s5 =	sshll.u32 s5, $0x7  }
0xa: {  	s7 =	ssub.s32 s7, s8;
	s8 =	simm.s32 $0x5;
	s6 =	sadd.s32 s6, s4  }
0xb: {  	s4 =	sadd.s32 $0x19FE00, s4;
	s7 =	smax.u32 s7, $0x1;
	s6 =	sadd.s32 $0x400, s6  }
.LBB2_8:
0xc: {  	s18 =	sadd.s32 $0x1, s18  }
0xd: {  	_ =	swait.ge [sflag:s16], $0x6400;
	p0 =	sne.s32 s18, s7  }
.Ltmp1:
0xe: {  	[sflag:s16] =	ssyncset.done $0x0;
	(pc) =	sbr.rel @!p0 .LBB2_9-.Ltmp1, $4  }
0xf: {  	[sflag:s16] =	ssyncadd.s32 $0xFFFF9C00  }
0x10: {  	_ =	swait.ge [sflag:s17], $0x6400  }
0x11: {  	[sflag:s17] =	ssyncset.done $0x0  }
0x12: {  	[sflag:s17] =	ssyncadd.s32 $0xFFFF9C00  }
.LBB2_1:
0x13: {  	[tilespmem:s2], [sflag:$0x5] =	stream.linear.gather [hbm4b:s6+s2], $0x6400, $0x38;
	[tilespmem:$0x1F400] =	vst v63  }
0x14: {  	_ =	swait.ge [sflag:s8], $0x6400  }
0x15: {  	[sflag:s8] =	ssyncset.done $0x0  }
0x16: {  	[sflag:s8] =	ssyncadd.s32 $0xFFFF9C00  }
0x17: {  	[tilespmem:s10], [sflag:$0x1] =	stream.indirect.gather [hbm4b:s3+s9], $0x80, s2, s9, $0xb8;
	[tilespmem:$0x1F400] =	vst v63  }
0x18: {  	s19 =	simm.s32 $0x0  }
0x19: {  	[tilespmem:s11], [sflag:$0x2] =	stream.indirect.gather [hbm4b:s3+s9], $0x80, s9, s9, $0xb8;
	[tilespmem:$0x1F400] =	vst v63  }
.LBB2_2:
0x1a: {  	_ =	swait.ge [sflag:s12], $0x6400  }
0x1b: {  	p0 =	seq.s32 s19, $0x0;
	[sflag:s12] =	ssyncset.done $0x0  }
0x1c: {  	s20 =	simm.s32 @!p0 $0x3;
	[sflag:s12] =	ssyncadd.s32 $0xFFFF9C00  }
0x1d: {  	_ =	swait.ge @!p0 [sflag:s20], $0x6400  }
0x1e: {  	[sflag:s20] =	ssyncset.done @!p0 $0x0  }
0x1f: {  	s21 =	simm.s32 $0x0;
	[sflag:s20] =	ssyncadd.s32 @!p0 $0xFFFF9C00  }
0x20: {  	v0 =	vld [tilespmem:s21+$0x65B0]  }
0x21: {  	v1 =	vld [tilespmem:s21+$0x6400]  }
0x22: {  	v2 =	vld [tilespmem:s21+$0x6410]  }
0x23: {  	v3 =	vld [tilespmem:s21+$0x6420]  }
0x24: {  	v4 =	vld [tilespmem:s21+$0x6430]  }
0x25: {  	v5 =	vld [tilespmem:s21+$0x6480];
	[tilespmem:s21+$0x12DB0] =	vst v0  }
0x26: {  	[tilespmem:s21+$0x12C00] =	vst v1;
	v0 =	vld [tilespmem:s21+$0x6490]  }
0x27: {  	[tilespmem:s21+$0x12C10] =	vst v2;
	v1 =	vld [tilespmem:s21+$0x64A0]  }
0x28: {  	[tilespmem:s21+$0x12C20] =	vst v3;
	v2 =	vld [tilespmem:s21+$0x64B0]  }
0x29: {  	[tilespmem:s21+$0x12C30] =	vst v4;
	v3 =	vld [tilespmem:s21+$0x6500]  }
0x2a: {  	[tilespmem:s21+$0x12C80] =	vst v5;
	v4 =	vld [tilespmem:s21+$0x6510]  }
0x2b: {  	[tilespmem:s21+$0x12C90] =	vst v0;
	v0 =	vld [tilespmem:s21+$0x6520]  }
0x2c: {  	[tilespmem:s21+$0x12CA0] =	vst v1;
	v1 =	vld [tilespmem:s21+$0x6530]  }
0x2d: {  	[tilespmem:s21+$0x12CB0] =	vst v2;
	v2 =	vld [tilespmem:s21+$0x6580]  }
0x2e: {  	[tilespmem:s21+$0x12D00] =	vst v3;
	v3 =	vld [tilespmem:s21+$0x6590]  }
0x2f: {  	s22 =	simm.s32 $0x200;
	s23 =	simm.s32 $0x1000;
	s20 =	sshll.u32 s19, $0x1;
	[tilespmem:s21+$0x12D10] =	vst v4;
	v4 =	vld [tilespmem:s21+$0x65A0]  }
.LBB2_3:
0x30: {  	p1 =	sne.s32 s23, $0x18800;
	v5 =	vld [tilespmem:s22+$0x65B0];
	[tilespmem:s21+$0x12D20] =	vst v0  }
0x31: {  	v0 =	vld [tilespmem:s22+$0x6400];
	[tilespmem:s21+$0x12D30] =	vst v1  }
0x32: {  	v1 =	vld [tilespmem:s22+$0x6410];
	[tilespmem:s21+$0x12D80] =	vst v2  }
0x33: {  	v2 =	vld [tilespmem:s22+$0x6420];
	[tilespmem:s21+$0x12D90] =	vst v3  }
0x34: {  	v3 =	vld [tilespmem:s22+$0x6430];
	[tilespmem:s21+$0x12DA0] =	vst v4;
	s21 =	smov.u32 s22  }
0x35: {  	v4 =	vld [tilespmem:s21+$0x6480];
	[tilespmem:s21+$0x12DB0] =	vst v5  }
0x36: {  	[tilespmem:s21+$0x12C00] =	vst v0;
	v0 =	vld [tilespmem:s21+$0x6490]  }
0x37: {  	[tilespmem:s21+$0x12C10] =	vst v1;
	v1 =	vld [tilespmem:s21+$0x64A0]  }
0x38: {  	[tilespmem:s21+$0x12C20] =	vst v2;
	v2 =	vld [tilespmem:s21+$0x64B0]  }
0x39: {  	[tilespmem:s21+$0x12C30] =	vst v3;
	v3 =	vld [tilespmem:s21+$0x6500]  }
0x3a: {  	[tilespmem:s21+$0x12C80] =	vst v4;
	v4 =	vld [tilespmem:s21+$0x6510]  }
.Ltmp2:
0x3b: {  	[tilespmem:s21+$0x12C90] =	vst v0;
	v0 =	vld [tilespmem:s21+$0x6520];
	(pc) =	sbr.rel @p1 .LBB2_3-.Ltmp2, $4  }
0x3c: {  	[tilespmem:s21+$0x12CA0] =	vst v1;
	v1 =	vld [tilespmem:s21+$0x6530]  }
0x3d: {  	[tilespmem:s21+$0x12CB0] =	vst v2;
	v2 =	vld [tilespmem:s21+$0x6580]  }
0x3e: {  	[tilespmem:s21+$0x12D00] =	vst v3;
	v3 =	vld [tilespmem:s21+$0x6590]  }
0x3f: {  	s22 =	sshra.s32 s23, $0x2;
	s23 =	sadd.s32 $0x800, s23;
	[tilespmem:s21+$0x12D10] =	vst v4;
	v4 =	vld [tilespmem:s21+$0x65A0]  }
0x40: {  	v5 =	vld [tilespmem:s22+$0x65B0];
	[tilespmem:s21+$0x12D20] =	vst v0  }
0x41: {  	v0 =	vld [tilespmem:s22+$0x6400];
	[tilespmem:s21+$0x12D30] =	vst v1  }
0x42: {  	v1 =	vld [tilespmem:s22+$0x6410];
	[tilespmem:s21+$0x12D80] =	vst v2  }
0x43: {  	v2 =	vld [tilespmem:s22+$0x6420];
	[tilespmem:s21+$0x12D90] =	vst v3  }
0x44: {  	v3 =	vld [tilespmem:s22+$0x6430];
	[tilespmem:s21+$0x12DA0] =	vst v4  }
0x45: {  	v4 =	vld [tilespmem:s22+$0x6480];
	[tilespmem:s22+$0x12DB0] =	vst v5  }
0x46: {  	[tilespmem:s22+$0x12C00] =	vst v0;
	v0 =	vld [tilespmem:s22+$0x6490]  }
0x47: {  	[tilespmem:s22+$0x12C10] =	vst v1;
	v1 =	vld [tilespmem:s22+$0x64A0]  }
0x48: {  	[tilespmem:s22+$0x12C20] =	vst v2;
	v2 =	vld [tilespmem:s22+$0x64B0]  }
0x49: {  	[tilespmem:s22+$0x12C30] =	vst v3;
	v3 =	vld [tilespmem:s22+$0x6500]  }
0x4a: {  	[tilespmem:s22+$0x12C80] =	vst v4;
	v4 =	vld [tilespmem:s22+$0x6510]  }
0x4b: {  	[tilespmem:s22+$0x12C90] =	vst v0;
	v0 =	vld [tilespmem:s22+$0x6520]  }
0x4c: {  	[tilespmem:s22+$0x12CA0] =	vst v1;
	v1 =	vld [tilespmem:s22+$0x6530]  }
0x4d: {  	[tilespmem:s22+$0x12CB0] =	vst v2;
	v2 =	vld [tilespmem:s22+$0x6580]  }
0x4e: {  	[tilespmem:s22+$0x12D00] =	vst v3;
	v3 =	vld [tilespmem:s22+$0x6590]  }
0x4f: {  	[tilespmem:s22+$0x12D10] =	vst v4;
	v4 =	vld [tilespmem:s22+$0x65A0]  }
0x50: {  	[tilespmem:s22+$0x12D20] =	vst v0  }
0x51: {  	s31 =	sadd.s32 s5, s20;
	[tilespmem:s22+$0x12D30] =	vst v1  }
0x52: {  	s21 =	smul.u32 $0xC80, s31;
	[tilespmem:s22+$0x12D80] =	vst v2  }
0x53: {  	p1 =	seq.s32 s19, $0x3F;
	[tilespmem:s22+$0x12D90] =	vst v3  }
0x54: {  	s21 =	sadd.s32 s4, s21;
	[tilespmem:s22+$0x12DA0] =	vst v4;
	s22 =	smul.u32 @!p1 $0x640, s19  }
0x55: {  	[hbm4b:s21+s2] =	stream.linear.scatter [tilespmem:s13], [sflag:$0x3], $0x6400, $0x38;
	[tilespmem:$0x1F400] =	vst v63  }
0x56: {  	s21 =	sshra.s32 @!p1 s22, $0x2  }
0x57: {  	s23 =	simm.s32 @!p1 $0x6400;
	s22 =	simm.s32 @!p1 $0xC8;
	s21 =	sadd.s32 @!p1 $0x190, s21  }
0x58: {  	[tilespmem:s23], [sflag:$0x1] =	stream.indirect.gather @!p1 [hbm4b:s3+s22], $0x80, s21, s22, $0xb8;
	[tilespmem:$0x1F400] =	vst v63  }
0x59: {  	_ =	swait.ge [sflag:s14], $0x6400  }
0x5a: {  	[sflag:s14] =	ssyncset.done $0x0  }
0x5b: {  	s21 =	simm.s32 @!p0 $0x4;
	[sflag:s14] =	ssyncadd.s32 $0xFFFF9C00  }
0x5c: {  	_ =	swait.ge @!p0 [sflag:s21], $0x6400  }
0x5d: {  	[sflag:s21] =	ssyncset.done @!p0 $0x0  }
0x5e: {  	[sflag:s21] =	ssyncadd.s32 @!p0 $0xFFFF9C00;
	s21 =	simm.s32 $0x0  }
0x5f: {  	v0 =	vld [tilespmem:s21+$0xC9B0]  }
0x60: {  	v1 =	vld [tilespmem:s21+$0xC800]  }
0x61: {  	v2 =	vld [tilespmem:s21+$0xC810]  }
0x62: {  	v3 =	vld [tilespmem:s21+$0xC820]  }
0x63: {  	v4 =	vld [tilespmem:s21+$0xC830]  }
0x64: {  	v5 =	vld [tilespmem:s21+$0xC880];
	[tilespmem:s21+$0x191B0] =	vst v0  }
0x65: {  	[tilespmem:s21+$0x19000] =	vst v1;
	v0 =	vld [tilespmem:s21+$0xC890]  }
0x66: {  	[tilespmem:s21+$0x19010] =	vst v2;
	v1 =	vld [tilespmem:s21+$0xC8A0]  }
0x67: {  	[tilespmem:s21+$0x19020] =	vst v3;
	v2 =	vld [tilespmem:s21+$0xC8B0]  }
0x68: {  	[tilespmem:s21+$0x19030] =	vst v4;
	v3 =	vld [tilespmem:s21+$0xC900]  }
0x69: {  	[tilespmem:s21+$0x19080] =	vst v5;
	v4 =	vld [tilespmem:s21+$0xC910]  }
0x6a: {  	[tilespmem:s21+$0x19090] =	vst v0;
	v0 =	vld [tilespmem:s21+$0xC920]  }
0x6b: {  	[tilespmem:s21+$0x190A0] =	vst v1;
	v1 =	vld [tilespmem:s21+$0xC930]  }
0x6c: {  	[tilespmem:s21+$0x190B0] =	vst v2;
	v2 =	vld [tilespmem:s21+$0xC980]  }
0x6d: {  	[tilespmem:s21+$0x19100] =	vst v3;
	v3 =	vld [tilespmem:s21+$0xC990]  }
0x6e: {  	s20 =	sor.u32 $0x1, s20;
	s22 =	simm.s32 $0x200;
	s23 =	simm.s32 $0x1000;
	[tilespmem:s21+$0x19110] =	vst v4;
	v4 =	vld [tilespmem:s21+$0xC9A0]  }
.LBB2_5:
0x6f: {  	p0 =	sne.s32 s23, $0x18800;
	v5 =	vld [tilespmem:s22+$0xC9B0];
	[tilespmem:s21+$0x19120] =	vst v0  }
0x70: {  	v0 =	vld [tilespmem:s22+$0xC800];
	[tilespmem:s21+$0x19130] =	vst v1  }
0x71: {  	v1 =	vld [tilespmem:s22+$0xC810];
	[tilespmem:s21+$0x19180] =	vst v2  }
0x72: {  	v2 =	vld [tilespmem:s22+$0xC820];
	[tilespmem:s21+$0x19190] =	vst v3  }
0x73: {  	v3 =	vld [tilespmem:s22+$0xC830];
	[tilespmem:s21+$0x191A0] =	vst v4;
	s21 =	smov.u32 s22  }
0x74: {  	v4 =	vld [tilespmem:s21+$0xC880];
	[tilespmem:s21+$0x191B0] =	vst v5  }
0x75: {  	[tilespmem:s21+$0x19000] =	vst v0;
	v0 =	vld [tilespmem:s21+$0xC890]  }
0x76: {  	[tilespmem:s21+$0x19010] =	vst v1;
	v1 =	vld [tilespmem:s21+$0xC8A0]  }
0x77: {  	[tilespmem:s21+$0x19020] =	vst v2;
	v2 =	vld [tilespmem:s21+$0xC8B0]  }
0x78: {  	[tilespmem:s21+$0x19030] =	vst v3;
	v3 =	vld [tilespmem:s21+$0xC900]  }
0x79: {  	[tilespmem:s21+$0x19080] =	vst v4;
	v4 =	vld [tilespmem:s21+$0xC910]  }
.Ltmp3:
0x7a: {  	[tilespmem:s21+$0x19090] =	vst v0;
	v0 =	vld [tilespmem:s21+$0xC920];
	(pc) =	sbr.rel @p0 .LBB2_5-.Ltmp3, $4  }
0x7b: {  	[tilespmem:s21+$0x190A0] =	vst v1;
	v1 =	vld [tilespmem:s21+$0xC930]  }
0x7c: {  	[tilespmem:s21+$0x190B0] =	vst v2;
	v2 =	vld [tilespmem:s21+$0xC980]  }
0x7d: {  	[tilespmem:s21+$0x19100] =	vst v3;
	v3 =	vld [tilespmem:s21+$0xC990]  }
0x7e: {  	s22 =	sshra.s32 s23, $0x2;
	s23 =	sadd.s32 $0x800, s23;
	[tilespmem:s21+$0x19110] =	vst v4;
	v4 =	vld [tilespmem:s21+$0xC9A0]  }
0x7f: {  	v5 =	vld [tilespmem:s22+$0xC9B0];
	[tilespmem:s21+$0x19120] =	vst v0  }
0x80: {  	v0 =	vld [tilespmem:s22+$0xC800];
	[tilespmem:s21+$0x19130] =	vst v1  }
0x81: {  	v1 =	vld [tilespmem:s22+$0xC810];
	[tilespmem:s21+$0x19180] =	vst v2  }
0x82: {  	v2 =	vld [tilespmem:s22+$0xC820];
	[tilespmem:s21+$0x19190] =	vst v3  }
0x83: {  	v3 =	vld [tilespmem:s22+$0xC830];
	[tilespmem:s21+$0x191A0] =	vst v4  }
0x84: {  	v4 =	vld [tilespmem:s22+$0xC880];
	[tilespmem:s22+$0x191B0] =	vst v5  }
0x85: {  	v54 =	vld [tilespmem:s22+$0xC890];
	[tilespmem:s22+$0x19000] =	vst v0  }
0x86: {  	v55 =	vld [tilespmem:s22+$0xC8A0];
	[tilespmem:s22+$0x19010] =	vst v1  }
0x87: {  	v56 =	vld [tilespmem:s22+$0xC8B0];
	[tilespmem:s22+$0x19020] =	vst v2  }
0x88: {  	v57 =	vld [tilespmem:s22+$0xC900];
	[tilespmem:s22+$0x19030] =	vst v3  }
0x89: {  	v58 =	vld [tilespmem:s22+$0xC910];
	[tilespmem:s22+$0x19080] =	vst v4  }
0x8a: {  	v59 =	vld [tilespmem:s22+$0xC920];
	[tilespmem:s22+$0x19090] =	vst v54  }
0x8b: {  	v60 =	vld [tilespmem:s22+$0xC930];
	[tilespmem:s22+$0x190A0] =	vst v55  }
0x8c: {  	v61 =	vld [tilespmem:s22+$0xC980];
	[tilespmem:s22+$0x190B0] =	vst v56  }
0x8d: {  	v62 =	vld [tilespmem:s22+$0xC990];
	[tilespmem:s22+$0x19100] =	vst v57  }
0x8e: {  	v63 =	vld [tilespmem:s22+$0xC9A0];
	[tilespmem:s22+$0x19110] =	vst v58  }
0x8f: {  	[tilespmem:s22+$0x19120] =	vst v59  }
.Ltmp4:
0x90: {  	s20 =	sadd.s32 s5, s20;
	[tilespmem:s22+$0x19130] =	vst v60;
	(pc) =	sbr.rel @p1 .LBB2_8-.Ltmp4, $4  }
0x91: {  	s20 =	smul.u32 $0xC80, s20;
	[tilespmem:s22+$0x19180] =	vst v61  }
0x92: {  	[tilespmem:s22+$0x19190] =	vst v62  }
0x93: {  	s20 =	sadd.s32 s4, s20;
	[tilespmem:s22+$0x191A0] =	vst v63  }
0x94: {  	[hbm4b:s20+s2] =	stream.linear.scatter [tilespmem:s15], [sflag:$0x4], $0x6400, $0x38;
	[tilespmem:$0x1F400] =	vst v63  }
0x95: {  	s20 =	smul.u32 $0x640, s19  }
.Ltmp5:
0x96: {  	_ = 	snop;
	(pc) =	sbr.rel .LBB2_2-.Ltmp5, $4  }
0x97: {  	_ = 	snop  }
0x98: {  	s20 =	sshra.s32 s20, $0x2  }
0x99: {  	s19 =	sadd.s32 $0x1, s19;
	s20 =	sadd.s32 $0x258, s20  }
0x9a: {  	[tilespmem:s11], [sflag:$0x2] =	stream.indirect.gather [hbm4b:s3+s9], $0x80, s20, s9, $0xb8;
	[tilespmem:$0x1F400] =	vst v63  }
.LBB2_9:
0x9b: {  	_ =	sfence.sel $0x180000  }
0x9c: {  	[bflag:$0x0] =	sbarrier.arrive $0xFFFF  }
0x9d: {  	p0 =	sne.s32 s0, $0x0;
	_ =	strace $0x90000047  }
0x9e: {  	s0 =	sadd.s32 @!p0 $0x100000, s1;
	[bflag:$0x2] =	sbarrier.arrive $0xFFFF  }
0x9f: {  	[sflag:s0] =	ssyncadd.tile.s32 @!p0 $0x1;
	_ =	shalt  }
.Lfunc_end2:
_tile_overlayer_lowered:
.L_overlay_start_2:
0xa0: {  	(tag) =	ssettag $0x2  }
0xa1: {  	s0 =	rddreg [dreg:$0x0];
	s2 =	stileid.u32  }
0xa2: {  	s1 =	rddreg [dreg:$0x1];
	p0 =	sne.s32 s2, $0x0  }
0xa3: {  	s3 =	rddreg [dreg:$0x2];
	[bflag:$0x3] =	sbarrier.arrive $0xFFFF;
	s2 =	simm.s32 @!p0 $0x1C05  }
0xa4: {  	[timem:s3], [sflag:s2] =	dma.local @!p0 [hbm:s0], s1  }
0xa5: {  	s0 =	simm.s32 @!p0 $0x5  }
0xa6: {  	_ =	swait.ge @!p0 [sflag:s0], s1  }
0xa7: {  	s1 =	ssub.s32 @!p0 $0x0, s1;
	[sflag:s0] =	ssyncset.done @!p0 $0x0  }
0xa8: {  	[sflag:s0] =	ssyncadd.s32 @!p0 s1  }
0xa9: {  	[bflag:$0x3] =	sbarrier.arrive $0xFFFF  }
0xaa: {  	_ =	shalt  }

</sc_bundles>
